<compile_context>
chip_gen: v7x
topology: tpu7x:2x2x1
jax: 0.10.2.dev20260603
libtpu: 0.0.44.dev20260713+nightly
codegen_flags: <defaults>
</compile_context>

<pallas_src>
import functools

import jax
import jax.numpy as jnp
from jax import lax
from jax.experimental import pallas as pl
from jax.experimental.pallas import tpu as pltpu
from jax.experimental.pallas import tpu_sc as plsc

G, N, F, H, B = 8, 1024, 128, 64, 16
GPB = 2
HH = H // 2


def _dot(p, q):
    return jnp.dot(p, q, preferred_element_type=jnp.float32)


def _gnn_body(xs_ref, a_ref, win_ref, bin_ref, w0_ref, b0_ref, w1_ref,
              b1_ref, w2_ref, b2_ref, out_ref):
    a = [a_ref[k] for k in range(GPB)]
    win, bin_ = win_ref[...], bin_ref[...]
    ws = [(w0_ref[...], b0_ref[...]), (w1_ref[...], b1_ref[...])]
    w2, b2 = w2_ref[...], b2_ref[...]

    x = [jnp.maximum(_dot(xs_ref[k], win) + bin_, 0.0) for k in range(GPB)]
    t = x
    for w, b in ws:
        y = [_dot(x[k], w) for k in range(GPB)]
        x = [jnp.maximum(_dot(a[k], y[k]) + b, 0.0) for k in range(GPB)]
    y = [_dot(x[k], w2) for k in range(GPB)]
    z = [_dot(a[k], y[k]) + b2 for k in range(GPB)]
    e = [jnp.exp(z[k]) for k in range(GPB)]
    x = [e[k] / jnp.sum(e[k], axis=-1, keepdims=True) + t[k]
         for k in range(GPB)]
    for k in range(GPB):
        out_ref[k] = x[k].T


_GDN = lax.GatherDimensionNumbers(
    offset_dims=(), collapsed_slice_dims=(0,), start_index_map=(0,))


def _perm(v, idx):
    return lax.gather(v, idx.reshape(16, 1), dimension_numbers=_GDN,
                      slice_sizes=(1,),
                      mode=lax.GatherScatterMode.PROMISE_IN_BOUNDS)


def _allsum(v, lanes):
    for sh in (8, 4, 2, 1):
        v = v + _perm(v, lax.bitwise_xor(lanes, sh))
    return v


def _sc_pool(hidt_hbm, gids_hbm, mask_hbm, out_hbm,
             gid_v, m_v, ht_v, obuf_v, sem):
    info = plsc.get_sparse_core_info()
    nc = info.num_cores
    wid = lax.axis_index("s") * nc + lax.axis_index("c")
    b = wid % B
    hh = wid // B

    pltpu.sync_copy(gids_hbm, gid_v)
    pltpu.sync_copy(mask_hbm.at[b], m_v)

    lanes = lax.iota(jnp.int32, 16)
    gb = _perm(gid_v[...], lanes * 0 + b)
    for j in range(2):
        rows = gb * H + (hh * HH + j * 16) + lanes
        pltpu.async_copy(hidt_hbm.at[rows], ht_v.at[j], sem).wait()

    cvec = jnp.zeros((16,), jnp.float32)
    for i in range(N // 16):
        cvec = cvec + m_v[pl.ds(i * 16, 16)]
    cntv = _allsum(cvec, lanes)
    rcnt = 1.0 / jnp.maximum(cntv, 1.0)

    obuf_v[pl.ds(0, 16)] = rcnt
    obuf_v[pl.ds(16, 16)] = gb.astype(jnp.float32)
    pltpu.sync_copy(obuf_v, out_hbm.at[b, hh])


@jax.jit
def kernel(cdfg_xs, cdfg_as, W_in, b_in, W0, b0, W1, b1, W2, b2, graph,
           coverpoint, coverpoint_mask):
    del coverpoint
    gids = graph.astype(jnp.int32).reshape(B)
    maskf = coverpoint_mask.astype(jnp.float32)

    hidden_t = pl.pallas_call(
        _gnn_body,
        grid=(G // GPB,),
        in_specs=[
            pl.BlockSpec((GPB, N, F), lambda g: (g, 0, 0)),
            pl.BlockSpec((GPB, N, N), lambda g: (g, 0, 0)),
            pl.BlockSpec((F, H), lambda g: (0, 0)),
            pl.BlockSpec((1, H), lambda g: (0, 0)),
            pl.BlockSpec((H, H), lambda g: (0, 0)),
            pl.BlockSpec((1, H), lambda g: (0, 0)),
            pl.BlockSpec((H, H), lambda g: (0, 0)),
            pl.BlockSpec((1, H), lambda g: (0, 0)),
            pl.BlockSpec((H, H), lambda g: (0, 0)),
            pl.BlockSpec((1, H), lambda g: (0, 0)),
        ],
        out_specs=pl.BlockSpec((GPB, H, N), lambda g: (g, 0, 0)),
        out_shape=jax.ShapeDtypeStruct((G, H, N), jnp.float32),
    )(cdfg_xs, cdfg_as, W_in, b_in.reshape(1, H), W0, b0.reshape(1, H),
      W1, b1.reshape(1, H), W2, b2.reshape(1, H))

    mesh = plsc.VectorSubcoreMesh(core_axis_name="c", subcore_axis_name="s")
    pool = functools.partial(
        pl.kernel, mesh=mesh,
        out_type=jax.ShapeDtypeStruct((B, 2, HH), jnp.float32),
        scratch_types=[
            pltpu.VMEM((B,), jnp.int32),
            pltpu.VMEM((N,), jnp.float32),
            pltpu.VMEM((2, 16, N), jnp.float32),
            pltpu.VMEM((HH,), jnp.float32),
            pltpu.SemaphoreType.DMA,
        ],
    )(_sc_pool)
    out = pool(hidden_t.reshape(G * H, N), gids, maskf)
    return out.reshape(B, H)

# --- scband reference (transcript-rebuilt; emitter-appended) ---
"""Pipeline reference for scband-cdfg-reader-20255065768053 (READ-ONLY COPY).

The authoritative reference and input builder live on the scoring server;
editing this copy changes nothing except your own understanding.
"""

import jax, jax.numpy as jnp
import numpy as np

G, N, F, H, B = 8, 1024, 128, 64, 16


def setup_inputs(seed: int = 0) -> dict:
    key = jax.random.key(seed)
    ks = jax.random.split(key, 16)
    cdfg_xs = jax.random.normal(ks[0], (G, N, F), dtype=jnp.float32)
    # GCN-style symmetric-normalized dense adjacency with self loops
    a_raw = (jax.random.uniform(ks[1], (G, N, N)) < 0.01).astype(jnp.float32)
    a_raw = a_raw + jnp.eye(N, dtype=jnp.float32)[None, :, :]
    deg = jnp.sum(a_raw, axis=-1)
    dinv = 1.0 / jnp.sqrt(jnp.maximum(deg, 1.0))
    cdfg_as = a_raw * dinv[:, :, None] * dinv[:, None, :]
    W_in = jax.random.normal(ks[2], (F, H), dtype=jnp.float32) * 0.05
    b_in = jnp.zeros((H,), dtype=jnp.float32)
    W0 = jax.random.normal(ks[3], (H, H), dtype=jnp.float32) * 0.05
    b0 = jnp.zeros((H,), dtype=jnp.float32)
    W1 = jax.random.normal(ks[4], (H, H), dtype=jnp.float32) * 0.05
    b1 = jnp.zeros((H,), dtype=jnp.float32)
    W2 = jax.random.normal(ks[5], (H, H), dtype=jnp.float32) * 0.05
    b2 = jnp.zeros((H,), dtype=jnp.float32)
    graph = jax.random.randint(ks[6], (B, 1), 0, G).astype(jnp.int64)
    coverpoint = jax.random.randint(ks[7], (B, 1), 0, N).astype(jnp.int64)
    coverpoint_mask = jax.random.randint(ks[8], (B, N), 0, 2).astype(bool)
    return {
        'cdfg_xs': cdfg_xs, 'cdfg_as': cdfg_as,
        'W_in': W_in, 'b_in': b_in,
        'W0': W0, 'b0': b0, 'W1': W1, 'b1': b1, 'W2': W2, 'b2': b2,
        'graph': graph, 'coverpoint': coverpoint, 'coverpoint_mask': coverpoint_mask,
    }


def reference(cdfg_xs, cdfg_as, W_in, b_in, W0, b0, W1, b1, W2, b2, graph, coverpoint, coverpoint_mask):
    # tf.gather_nd(cdfg_xs, graph) with graph [B,1] -> gather along axis 0
    idx = graph[:, 0]
    xs = jnp.take(cdfg_xs, idx, axis=0)      # [B, N, F]
    As = jnp.take(cdfg_as, idx, axis=0)      # [B, N, N]
    # gnn_input_layer: Dense(H, relu); dropout is identity at inference
    x = jax.nn.relu(jnp.einsum('bnf,fh->bnh', xs, W_in) + b_in)
    to_add = x
    # GCNConv layers: act(A @ X @ W + b)
    x = jax.nn.relu(jnp.einsum('bij,bjh->bih', As, jnp.einsum('bnh,hk->bnk', x, W0)) + b0)
    x = jax.nn.relu(jnp.einsum('bij,bjh->bih', As, jnp.einsum('bnh,hk->bnk', x, W1)) + b1)
    x = jax.nn.softmax(jnp.einsum('bij,bjh->bih', As, jnp.einsum('bnh,hk->bnk', x, W2)) + b2, axis=-1)
    x = x + to_add
    # ragged boolean mask + mean over selected nodes
    m = coverpoint_mask.astype(x.dtype)[:, :, None]
    out = jnp.sum(x * m, axis=1) / jnp.maximum(jnp.sum(m, axis=1), 1.0)
    return out

if __name__ == "__main__":
    import jax
    _d = setup_inputs()
    print(jax.jit(kernel)(*tuple(_d.values())))

</pallas_src>

<mosaic_0001>
#map = affine_map<(d0, d1) -> (0, 0)>
#map1 = affine_map<(d0, d1) -> (0)>
#map2 = affine_map<(d0, d1) -> (0, 0, 0)>
module attributes {stable_mosaic.version = 14 : i64} {
  func.func @_sc_pool(%arg0: i32, %arg1: i32, %arg2: memref<512x1024xf32, #tpu.memory_space<hbm>>, %arg3: memref<16xi32, #tpu.memory_space<hbm>>, %arg4: memref<16x1024xf32, #tpu.memory_space<hbm>>, %arg5: memref<16x2x32xf32, #tpu.memory_space<hbm>>, %arg6: memref<16xi32, #tpu.memory_space<vmem>>, %arg7: memref<1024xf32, #tpu.memory_space<vmem>>, %arg8: memref<2x16x1024xf32, #tpu.memory_space<vmem>>, %arg9: memref<32xf32, #tpu.memory_space<vmem>>, %arg10: memref<!tpu.dma_semaphore, #tpu.memory_space<semaphore_mem>>) attributes {dimension_semantics = [#tpu.dimension_semantics<core_parallel>, #tpu.dimension_semantics<subcore_parallel>], iteration_bounds = array<i64: 2, 16>, scalar_prefetch = 0 : i64, scratch_operands = 5 : i64, tpu.core_type = #tpu.core_type<sc_vector_subcore>, window_params = [{transform_indices = #map}, {transform_indices = #map1}, {transform_indices = #map}, {transform_indices = #map2}]} {
    %mul3A = arith.constant 2 : i32
    %mul3A_0 = arith.muli %arg1, %mul3A : i32
    %add3A = arith.addi %mul3A_0, %arg0 : i32
    %jit3A = arith.constant 16 : i32
    %eq3A = arith.constant 0 : i32
    %eq3A_1 = arith.cmpi eq, %jit3A, %eq3A : i32
    %jit3A_2 = arith.constant 1 : i32
    %select_n3A = arith.select %eq3A_1, %jit3A_2, %jit3A : i32
    %rem3A = arith.remsi %add3A, %select_n3A : i32
    %ne3A = arith.constant 0 : i32
    %ne3A_3 = arith.cmpi ne, %rem3A, %ne3A : i32
    %lt3A = arith.constant 0 : i32
    %lt3A_4 = arith.cmpi slt, %rem3A, %lt3A : i32
    %lt3A_5 = arith.constant 0 : i32
    %lt3A_6 = arith.cmpi slt, %select_n3A, %lt3A_5 : i32
    %ne3A_7 = arith.xori %lt3A_4, %lt3A_6 : i1
    %and3A = arith.andi %ne3A_7, %ne3A_3 : i1
    %add3A_8 = arith.addi %rem3A, %select_n3A : i32
    %select_n3A_9 = arith.select %and3A, %add3A_8, %rem3A : i32
    %jit3A_10 = arith.constant 16 : i32
    %div3A = arith.divsi %add3A, %jit3A_10 : i32
    %sign3A = arith.constant 0 : i32
    %sign3A_11 = arith.cmpi sgt, %add3A, %sign3A : i32
    %sign3A_12 = arith.extui %sign3A_11 : i1 to i32
    %sign3A_13 = arith.constant 0 : i32
    %sign3A_14 = arith.cmpi slt, %add3A, %sign3A_13 : i32
    %sign3A_15 = arith.extui %sign3A_14 : i1 to i32
    %sign3A_16 = arith.subi %sign3A_12, %sign3A_15 : i32
    %sign3A_17 = arith.constant 0 : i32
    %sign3A_18 = arith.cmpi sgt, %jit3A_10, %sign3A_17 : i32
    %sign3A_19 = arith.extui %sign3A_18 : i1 to i32
    %sign3A_20 = arith.constant 0 : i32
    %sign3A_21 = arith.cmpi slt, %jit3A_10, %sign3A_20 : i32
    %sign3A_22 = arith.extui %sign3A_21 : i1 to i32
    %sign3A_23 = arith.subi %sign3A_19, %sign3A_22 : i32
    %ne3A_24 = arith.cmpi ne, %sign3A_16, %sign3A_23 : i32
    %rem3A_25 = arith.remsi %add3A, %jit3A_10 : i32
    %ne3A_26 = arith.constant 0 : i32
    %ne3A_27 = arith.cmpi ne, %rem3A_25, %ne3A_26 : i32
    %and3A_28 = arith.andi %ne3A_24, %ne3A_27 : i1
    %sub3A = arith.constant 1 : i32
    %sub3A_29 = arith.subi %div3A, %sub3A : i32
    %select_n3A_30 = arith.select %and3A_28, %sub3A_29, %div3A : i32
    "tpu.region"() ({
      %run_scoped3A = tpu.sem_alloc : memref<!tpu.dma_semaphore, #tpu.memory_space<semaphore_mem>>
      tpu.enqueue_dma source(%arg3 : memref<16xi32, #tpu.memory_space<hbm>>) target(%arg6 : memref<16xi32, #tpu.memory_space<vmem>>) target_semaphore(%run_scoped3A : memref<!tpu.dma_semaphore, #tpu.memory_space<semaphore_mem>>)
      tpu.wait_dma2 semaphore(%run_scoped3A : memref<!tpu.dma_semaphore, #tpu.memory_space<semaphore_mem>>) src(%arg3 : memref<16xi32, #tpu.memory_space<hbm>>) dst(%arg6 : memref<16xi32, #tpu.memory_space<vmem>>)
      tpu.yield
    }) : () -> ()
    "tpu.region"() ({
      %run_scoped3A = tpu.sem_alloc : memref<!tpu.dma_semaphore, #tpu.memory_space<semaphore_mem>>
      %dma_start3A_385 = arith.constant 0 : i32
      %dma_start3A_386 = tpu.memref_slice %arg4[%select_n3A_9, %dma_start3A_385] : memref<16x1024xf32, #tpu.memory_space<hbm>> -> memref<1x1024xf32, #tpu.memory_space<hbm>>
      %dma_start3A_387 = tpu.memref_squeeze %dma_start3A_386 : memref<1x1024xf32, #tpu.memory_space<hbm>> -> memref<1024xf32, #tpu.memory_space<hbm>>
      %dma_start3A_388 = arith.constant 0 : i32
      %dma_start3A_389 = tpu.memref_slice %arg4[%select_n3A_9, %dma_start3A_388] : memref<16x1024xf32, #tpu.memory_space<hbm>> -> memref<1x1024xf32, #tpu.memory_space<hbm>>
      %dma_start3A_390 = tpu.memref_squeeze %dma_start3A_389 : memref<1x1024xf32, #tpu.memory_space<hbm>> -> memref<1024xf32, #tpu.memory_space<hbm>>
      tpu.enqueue_dma source(%dma_start3A_390 : memref<1024xf32, #tpu.memory_space<hbm>>) target(%arg7 : memref<1024xf32, #tpu.memory_space<vmem>>) target_semaphore(%run_scoped3A : memref<!tpu.dma_semaphore, #tpu.memory_space<semaphore_mem>>)
      %dma_wait3A_391 = arith.constant 0 : i32
      %dma_wait3A_392 = tpu.memref_slice %arg4[%select_n3A_9, %dma_wait3A_391] : memref<16x1024xf32, #tpu.memory_space<hbm>> -> memref<1x1024xf32, #tpu.memory_space<hbm>>
      %dma_wait3A_393 = tpu.memref_squeeze %dma_wait3A_392 : memref<1x1024xf32, #tpu.memory_space<hbm>> -> memref<1024xf32, #tpu.memory_space<hbm>>
      %dma_wait3A_394 = arith.constant 0 : i32
      %dma_wait3A_395 = tpu.memref_slice %arg4[%select_n3A_9, %dma_wait3A_394] : memref<16x1024xf32, #tpu.memory_space<hbm>> -> memref<1x1024xf32, #tpu.memory_space<hbm>>
      %dma_wait3A_396 = tpu.memref_squeeze %dma_wait3A_395 : memref<1x1024xf32, #tpu.memory_space<hbm>> -> memref<1024xf32, #tpu.memory_space<hbm>>
      tpu.wait_dma2 semaphore(%run_scoped3A : memref<!tpu.dma_semaphore, #tpu.memory_space<semaphore_mem>>) src(%dma_wait3A_396 : memref<1024xf32, #tpu.memory_space<hbm>>) dst(%arg7 : memref<1024xf32, #tpu.memory_space<vmem>>)
      tpu.yield
    }) : () -> ()
    %iota3A = tpu.iota {dimensions = array<i32: 0>} : vector<16xi32>
    %get3A = arith.constant 0 : index
    %get3A_31 = tpu.vector_load %arg6[%get3A] {strides = array<i32>} : memref<16xi32, #tpu.memory_space<vmem>>, vector<16xi32>,
    %get3A_32 = vector.shape_cast %get3A_31 : vector<16xi32> to vector<16xi32>
    %mul3A_33 = arith.constant 0 : i32
    %mul3A_34 = vector.broadcast %mul3A_33 : i32 to vector<16xi32>
    %mul3A_35 = arith.muli %iota3A, %mul3A_34 : vector<16xi32>
    %add3A_36 = vector.broadcast %select_n3A_9 : i32 to vector<16xi32>
    %add3A_37 = arith.addi %mul3A_35, %add3A_36 : vector<16xi32>
    %reshape3A = vector.shape_cast %add3A_37 : vector<16xi32> to vector<16x1xi32>
    %gather3A = vector.shape_cast %reshape3A : vector<16x1xi32> to vector<16xi32>
    %gather3A_38 = tpu.dynamic_gather %get3A_32[%gather3A] in [0] : vector<16xi32>, vector<16xi32> -> vector<16xi32>
    %mul3A_39 = arith.constant 64 : i32
    %mul3A_40 = vector.broadcast %mul3A_39 : i32 to vector<16xi32>
    %mul3A_41 = arith.muli %gather3A_38, %mul3A_40 : vector<16xi32>
    %mul3A_42 = arith.constant 32 : i32
    %mul3A_43 = arith.muli %select_n3A_30, %mul3A_42 : i32
    %add3A_44 = arith.constant 0 : i32
    %add3A_45 = arith.addi %mul3A_43, %add3A_44 : i32
    %add3A_46 = vector.broadcast %add3A_45 : i32 to vector<16xi32>
    %add3A_47 = arith.addi %mul3A_41, %add3A_46 : vector<16xi32>
    %add3A_48 = arith.addi %add3A_47, %iota3A : vector<16xi32>
    %dma_start3A = arith.constant 0 : i32
    %dma_start3A_49 = arith.constant 0 : i32
    %dma_start3A_50 = arith.constant 0 : i32
    %dma_start3A_51 = tpu.memref_slice %arg8[%dma_start3A, %dma_start3A_49, %dma_start3A_50] : memref<2x16x1024xf32, #tpu.memory_space<vmem>> -> memref<1x16x1024xf32, #tpu.memory_space<vmem>>
    %dma_start3A_52 = tpu.memref_squeeze %dma_start3A_51 : memref<1x16x1024xf32, #tpu.memory_space<vmem>> -> memref<16x1024xf32, #tpu.memory_space<vmem>>
    %dma_start3A_53 = arith.constant 0 : i32
    %dma_start3A_54 = arith.constant 0 : i32
    %dma_start3A_55 = tpu.memref_slice %arg2[%dma_start3A_53, %dma_start3A_54] : memref<512x1024xf32, #tpu.memory_space<hbm>> -> memref<512x1024xf32, #tpu.memory_space<hbm>>
    tpu.enqueue_indirect_dma source(%dma_start3A_55 : memref<512x1024xf32, #tpu.memory_space<hbm>>) target(%dma_start3A_52 : memref<16x1024xf32, #tpu.memory_space<vmem>>) offsets(%add3A_48 : vector<16xi32>) semaphore(%arg10 : memref<!tpu.dma_semaphore, #tpu.memory_space<semaphore_mem>>)
    %dma_wait3A = arith.constant 0 : i32
    %dma_wait3A_56 = arith.constant 0 : i32
    %dma_wait3A_57 = arith.constant 0 : i32
    %dma_wait3A_58 = tpu.memref_slice %arg8[%dma_wait3A, %dma_wait3A_56, %dma_wait3A_57] : memref<2x16x1024xf32, #tpu.memory_space<vmem>> -> memref<1x16x1024xf32, #tpu.memory_space<vmem>>
    %dma_wait3A_59 = tpu.memref_squeeze %dma_wait3A_58 : memref<1x16x1024xf32, #tpu.memory_space<vmem>> -> memref<16x1024xf32, #tpu.memory_space<vmem>>
    %dma_wait3A_60 = arith.constant 0 : i32
    %dma_wait3A_61 = arith.constant 0 : i32
    %dma_wait3A_62 = tpu.memref_slice %arg2[%dma_wait3A_60, %dma_wait3A_61] : memref<512x1024xf32, #tpu.memory_space<hbm>> -> memref<512x1024xf32, #tpu.memory_space<hbm>>
    tpu.wait_indirect_dma semaphore(%arg10 : memref<!tpu.dma_semaphore, #tpu.memory_space<semaphore_mem>>) src(%dma_wait3A_62 : memref<512x1024xf32, #tpu.memory_space<hbm>>) dst(%dma_wait3A_59 : memref<16x1024xf32, #tpu.memory_space<vmem>>)
    %mul3A_63 = arith.constant 64 : i32
    %mul3A_64 = vector.broadcast %mul3A_63 : i32 to vector<16xi32>
    %mul3A_65 = arith.muli %gather3A_38, %mul3A_64 : vector<16xi32>
    %mul3A_66 = arith.constant 32 : i32
    %mul3A_67 = arith.muli %select_n3A_30, %mul3A_66 : i32
    %add3A_68 = arith.constant 16 : i32
    %add3A_69 = arith.addi %mul3A_67, %add3A_68 : i32
    %add3A_70 = vector.broadcast %add3A_69 : i32 to vector<16xi32>
    %add3A_71 = arith.addi %mul3A_65, %add3A_70 : vector<16xi32>
    %add3A_72 = arith.addi %add3A_71, %iota3A : vector<16xi32>
    %dma_start3A_73 = arith.constant 1 : i32
    %dma_start3A_74 = arith.constant 0 : i32
    %dma_start3A_75 = arith.constant 0 : i32
    %dma_start3A_76 = tpu.memref_slice %arg8[%dma_start3A_73, %dma_start3A_74, %dma_start3A_75] : memref<2x16x1024xf32, #tpu.memory_space<vmem>> -> memref<1x16x1024xf32, #tpu.memory_space<vmem>>
    %dma_start3A_77 = tpu.memref_squeeze %dma_start3A_76 : memref<1x16x1024xf32, #tpu.memory_space<vmem>> -> memref<16x1024xf32, #tpu.memory_space<vmem>>
    %dma_start3A_78 = arith.constant 0 : i32
    %dma_start3A_79 = arith.constant 0 : i32
    %dma_start3A_80 = tpu.memref_slice %arg2[%dma_start3A_78, %dma_start3A_79] : memref<512x1024xf32, #tpu.memory_space<hbm>> -> memref<512x1024xf32, #tpu.memory_space<hbm>>
    tpu.enqueue_indirect_dma source(%dma_start3A_80 : memref<512x1024xf32, #tpu.memory_space<hbm>>) target(%dma_start3A_77 : memref<16x1024xf32, #tpu.memory_space<vmem>>) offsets(%add3A_72 : vector<16xi32>) semaphore(%arg10 : memref<!tpu.dma_semaphore, #tpu.memory_space<semaphore_mem>>)
    %dma_wait3A_81 = arith.constant 1 : i32
    %dma_wait3A_82 = arith.constant 0 : i32
    %dma_wait3A_83 = arith.constant 0 : i32
    %dma_wait3A_84 = tpu.memref_slice %arg8[%dma_wait3A_81, %dma_wait3A_82, %dma_wait3A_83] : memref<2x16x1024xf32, #tpu.memory_space<vmem>> -> memref<1x16x1024xf32, #tpu.memory_space<vmem>>
    %dma_wait3A_85 = tpu.memref_squeeze %dma_wait3A_84 : memref<1x16x1024xf32, #tpu.memory_space<vmem>> -> memref<16x1024xf32, #tpu.memory_space<vmem>>
    %dma_wait3A_86 = arith.constant 0 : i32
    %dma_wait3A_87 = arith.constant 0 : i32
    %dma_wait3A_88 = tpu.memref_slice %arg2[%dma_wait3A_86, %dma_wait3A_87] : memref<512x1024xf32, #tpu.memory_space<hbm>> -> memref<512x1024xf32, #tpu.memory_space<hbm>>
    tpu.wait_indirect_dma semaphore(%arg10 : memref<!tpu.dma_semaphore, #tpu.memory_space<semaphore_mem>>) src(%dma_wait3A_88 : memref<512x1024xf32, #tpu.memory_space<hbm>>) dst(%dma_wait3A_85 : memref<16x1024xf32, #tpu.memory_space<vmem>>)
    %broadcast_in_dim3A = arith.constant 0.000000e+00 : f32
    %broadcast_in_dim3A_89 = vector.broadcast %broadcast_in_dim3A : f32 to vector<16xf32>
    %get3A_90 = arith.constant 0 : index
    %get3A_91 = tpu.vector_load %arg7[%get3A_90] {strides = array<i32>} : memref<1024xf32, #tpu.memory_space<vmem>>, vector<16xf32>,
    %get3A_92 = vector.shape_cast %get3A_91 : vector<16xf32> to vector<16xf32>
    %add3A_93 = arith.addf %broadcast_in_dim3A_89, %get3A_92 : vector<16xf32>
    %get3A_94 = arith.constant 16 : index
    %get3A_95 = tpu.vector_load %arg7[%get3A_94] {strides = array<i32>} : memref<1024xf32, #tpu.memory_space<vmem>>, vector<16xf32>,
    %get3A_96 = vector.shape_cast %get3A_95 : vector<16xf32> to vector<16xf32>
    %add3A_97 = arith.addf %add3A_93, %get3A_96 : vector<16xf32>
    %get3A_98 = arith.constant 32 : index
    %get3A_99 = tpu.vector_load %arg7[%get3A_98] {strides = array<i32>} : memref<1024xf32, #tpu.memory_space<vmem>>, vector<16xf32>,
    %get3A_100 = vector.shape_cast %get3A_99 : vector<16xf32> to vector<16xf32>
    %add3A_101 = arith.addf %add3A_97, %get3A_100 : vector<16xf32>
    %get3A_102 = arith.constant 48 : index
    %get3A_103 = tpu.vector_load %arg7[%get3A_102] {strides = array<i32>} : memref<1024xf32, #tpu.memory_space<vmem>>, vector<16xf32>,
    %get3A_104 = vector.shape_cast %get3A_103 : vector<16xf32> to vector<16xf32>
    %add3A_105 = arith.addf %add3A_101, %get3A_104 : vector<16xf32>
    %get3A_106 = arith.constant 64 : index
    %get3A_107 = tpu.vector_load %arg7[%get3A_106] {strides = array<i32>} : memref<1024xf32, #tpu.memory_space<vmem>>, vector<16xf32>,
    %get3A_108 = vector.shape_cast %get3A_107 : vector<16xf32> to vector<16xf32>
    %add3A_109 = arith.addf %add3A_105, %get3A_108 : vector<16xf32>
    %get3A_110 = arith.constant 80 : index
    %get3A_111 = tpu.vector_load %arg7[%get3A_110] {strides = array<i32>} : memref<1024xf32, #tpu.memory_space<vmem>>, vector<16xf32>,
    %get3A_112 = vector.shape_cast %get3A_111 : vector<16xf32> to vector<16xf32>
    %add3A_113 = arith.addf %add3A_109, %get3A_112 : vector<16xf32>
    %get3A_114 = arith.constant 96 : index
    %get3A_115 = tpu.vector_load %arg7[%get3A_114] {strides = array<i32>} : memref<1024xf32, #tpu.memory_space<vmem>>, vector<16xf32>,
    %get3A_116 = vector.shape_cast %get3A_115 : vector<16xf32> to vector<16xf32>
    %add3A_117 = arith.addf %add3A_113, %get3A_116 : vector<16xf32>
    %get3A_118 = arith.constant 112 : index
    %get3A_119 = tpu.vector_load %arg7[%get3A_118] {strides = array<i32>} : memref<1024xf32, #tpu.memory_space<vmem>>, vector<16xf32>,
    %get3A_120 = vector.shape_cast %get3A_119 : vector<16xf32> to vector<16xf32>
    %add3A_121 = arith.addf %add3A_117, %get3A_120 : vector<16xf32>
    %get3A_122 = arith.constant 128 : index
    %get3A_123 = tpu.vector_load %arg7[%get3A_122] {strides = array<i32>} : memref<1024xf32, #tpu.memory_space<vmem>>, vector<16xf32>,
    %get3A_124 = vector.shape_cast %get3A_123 : vector<16xf32> to vector<16xf32>
    %add3A_125 = arith.addf %add3A_121, %get3A_124 : vector<16xf32>
    %get3A_126 = arith.constant 144 : index
    %get3A_127 = tpu.vector_load %arg7[%get3A_126] {strides = array<i32>} : memref<1024xf32, #tpu.memory_space<vmem>>, vector<16xf32>,
    %get3A_128 = vector.shape_cast %get3A_127 : vector<16xf32> to vector<16xf32>
    %add3A_129 = arith.addf %add3A_125, %get3A_128 : vector<16xf32>
    %get3A_130 = arith.constant 160 : index
    %get3A_131 = tpu.vector_load %arg7[%get3A_130] {strides = array<i32>} : memref<1024xf32, #tpu.memory_space<vmem>>, vector<16xf32>,
    %get3A_132 = vector.shape_cast %get3A_131 : vector<16xf32> to vector<16xf32>
    %add3A_133 = arith.addf %add3A_129, %get3A_132 : vector<16xf32>
    %get3A_134 = arith.constant 176 : index
    %get3A_135 = tpu.vector_load %arg7[%get3A_134] {strides = array<i32>} : memref<1024xf32, #tpu.memory_space<vmem>>, vector<16xf32>,
    %get3A_136 = vector.shape_cast %get3A_135 : vector<16xf32> to vector<16xf32>
    %add3A_137 = arith.addf %add3A_133, %get3A_136 : vector<16xf32>
    %get3A_138 = arith.constant 192 : index
    %get3A_139 = tpu.vector_load %arg7[%get3A_138] {strides = array<i32>} : memref<1024xf32, #tpu.memory_space<vmem>>, vector<16xf32>,
    %get3A_140 = vector.shape_cast %get3A_139 : vector<16xf32> to vector<16xf32>
    %add3A_141 = arith.addf %add3A_137, %get3A_140 : vector<16xf32>
    %get3A_142 = arith.constant 208 : index
    %get3A_143 = tpu.vector_load %arg7[%get3A_142] {strides = array<i32>} : memref<1024xf32, #tpu.memory_space<vmem>>, vector<16xf32>,
    %get3A_144 = vector.shape_cast %get3A_143 : vector<16xf32> to vector<16xf32>
    %add3A_145 = arith.addf %add3A_141, %get3A_144 : vector<16xf32>
    %get3A_146 = arith.constant 224 : index
    %get3A_147 = tpu.vector_load %arg7[%get3A_146] {strides = array<i32>} : memref<1024xf32, #tpu.memory_space<vmem>>, vector<16xf32>,
    %get3A_148 = vector.shape_cast %get3A_147 : vector<16xf32> to vector<16xf32>
    %add3A_149 = arith.addf %add3A_145, %get3A_148 : vector<16xf32>
    %get3A_150 = arith.constant 240 : index
    %get3A_151 = tpu.vector_load %arg7[%get3A_150] {strides = array<i32>} : memref<1024xf32, #tpu.memory_space<vmem>>, vector<16xf32>,
    %get3A_152 = vector.shape_cast %get3A_151 : vector<16xf32> to vector<16xf32>
    %add3A_153 = arith.addf %add3A_149, %get3A_152 : vector<16xf32>
    %get3A_154 = arith.constant 256 : index
    %get3A_155 = tpu.vector_load %arg7[%get3A_154] {strides = array<i32>} : memref<1024xf32, #tpu.memory_space<vmem>>, vector<16xf32>,
    %get3A_156 = vector.shape_cast %get3A_155 : vector<16xf32> to vector<16xf32>
    %add3A_157 = arith.addf %add3A_153, %get3A_156 : vector<16xf32>
    %get3A_158 = arith.constant 272 : index
    %get3A_159 = tpu.vector_load %arg7[%get3A_158] {strides = array<i32>} : memref<1024xf32, #tpu.memory_space<vmem>>, vector<16xf32>,
    %get3A_160 = vector.shape_cast %get3A_159 : vector<16xf32> to vector<16xf32>
    %add3A_161 = arith.addf %add3A_157, %get3A_160 : vector<16xf32>
    %get3A_162 = arith.constant 288 : index
    %get3A_163 = tpu.vector_load %arg7[%get3A_162] {strides = array<i32>} : memref<1024xf32, #tpu.memory_space<vmem>>, vector<16xf32>,
    %get3A_164 = vector.shape_cast %get3A_163 : vector<16xf32> to vector<16xf32>
    %add3A_165 = arith.addf %add3A_161, %get3A_164 : vector<16xf32>
    %get3A_166 = arith.constant 304 : index
    %get3A_167 = tpu.vector_load %arg7[%get3A_166] {strides = array<i32>} : memref<1024xf32, #tpu.memory_space<vmem>>, vector<16xf32>,
    %get3A_168 = vector.shape_cast %get3A_167 : vector<16xf32> to vector<16xf32>
    %add3A_169 = arith.addf %add3A_165, %get3A_168 : vector<16xf32>
    %get3A_170 = arith.constant 320 : index
    %get3A_171 = tpu.vector_load %arg7[%get3A_170] {strides = array<i32>} : memref<1024xf32, #tpu.memory_space<vmem>>, vector<16xf32>,
    %get3A_172 = vector.shape_cast %get3A_171 : vector<16xf32> to vector<16xf32>
    %add3A_173 = arith.addf %add3A_169, %get3A_172 : vector<16xf32>
    %get3A_174 = arith.constant 336 : index
    %get3A_175 = tpu.vector_load %arg7[%get3A_174] {strides = array<i32>} : memref<1024xf32, #tpu.memory_space<vmem>>, vector<16xf32>,
    %get3A_176 = vector.shape_cast %get3A_175 : vector<16xf32> to vector<16xf32>
    %add3A_177 = arith.addf %add3A_173, %get3A_176 : vector<16xf32>
    %get3A_178 = arith.constant 352 : index
    %get3A_179 = tpu.vector_load %arg7[%get3A_178] {strides = array<i32>} : memref<1024xf32, #tpu.memory_space<vmem>>, vector<16xf32>,
    %get3A_180 = vector.shape_cast %get3A_179 : vector<16xf32> to vector<16xf32>
    %add3A_181 = arith.addf %add3A_177, %get3A_180 : vector<16xf32>
    %get3A_182 = arith.constant 368 : index
    %get3A_183 = tpu.vector_load %arg7[%get3A_182] {strides = array<i32>} : memref<1024xf32, #tpu.memory_space<vmem>>, vector<16xf32>,
    %get3A_184 = vector.shape_cast %get3A_183 : vector<16xf32> to vector<16xf32>
    %add3A_185 = arith.addf %add3A_181, %get3A_184 : vector<16xf32>
    %get3A_186 = arith.constant 384 : index
    %get3A_187 = tpu.vector_load %arg7[%get3A_186] {strides = array<i32>} : memref<1024xf32, #tpu.memory_space<vmem>>, vector<16xf32>,
    %get3A_188 = vector.shape_cast %get3A_187 : vector<16xf32> to vector<16xf32>
    %add3A_189 = arith.addf %add3A_185, %get3A_188 : vector<16xf32>
    %get3A_190 = arith.constant 400 : index
    %get3A_191 = tpu.vector_load %arg7[%get3A_190] {strides = array<i32>} : memref<1024xf32, #tpu.memory_space<vmem>>, vector<16xf32>,
    %get3A_192 = vector.shape_cast %get3A_191 : vector<16xf32> to vector<16xf32>
    %add3A_193 = arith.addf %add3A_189, %get3A_192 : vector<16xf32>
    %get3A_194 = arith.constant 416 : index
    %get3A_195 = tpu.vector_load %arg7[%get3A_194] {strides = array<i32>} : memref<1024xf32, #tpu.memory_space<vmem>>, vector<16xf32>,
    %get3A_196 = vector.shape_cast %get3A_195 : vector<16xf32> to vector<16xf32>
    %add3A_197 = arith.addf %add3A_193, %get3A_196 : vector<16xf32>
    %get3A_198 = arith.constant 432 : index
    %get3A_199 = tpu.vector_load %arg7[%get3A_198] {strides = array<i32>} : memref<1024xf32, #tpu.memory_space<vmem>>, vector<16xf32>,
    %get3A_200 = vector.shape_cast %get3A_199 : vector<16xf32> to vector<16xf32>
    %add3A_201 = arith.addf %add3A_197, %get3A_200 : vector<16xf32>
    %get3A_202 = arith.constant 448 : index
    %get3A_203 = tpu.vector_load %arg7[%get3A_202] {strides = array<i32>} : memref<1024xf32, #tpu.memory_space<vmem>>, vector<16xf32>,
    %get3A_204 = vector.shape_cast %get3A_203 : vector<16xf32> to vector<16xf32>
    %add3A_205 = arith.addf %add3A_201, %get3A_204 : vector<16xf32>
    %get3A_206 = arith.constant 464 : index
    %get3A_207 = tpu.vector_load %arg7[%get3A_206] {strides = array<i32>} : memref<1024xf32, #tpu.memory_space<vmem>>, vector<16xf32>,
    %get3A_208 = vector.shape_cast %get3A_207 : vector<16xf32> to vector<16xf32>
    %add3A_209 = arith.addf %add3A_205, %get3A_208 : vector<16xf32>
    %get3A_210 = arith.constant 480 : index
    %get3A_211 = tpu.vector_load %arg7[%get3A_210] {strides = array<i32>} : memref<1024xf32, #tpu.memory_space<vmem>>, vector<16xf32>,
    %get3A_212 = vector.shape_cast %get3A_211 : vector<16xf32> to vector<16xf32>
    %add3A_213 = arith.addf %add3A_209, %get3A_212 : vector<16xf32>
    %get3A_214 = arith.constant 496 : index
    %get3A_215 = tpu.vector_load %arg7[%get3A_214] {strides = array<i32>} : memref<1024xf32, #tpu.memory_space<vmem>>, vector<16xf32>,
    %get3A_216 = vector.shape_cast %get3A_215 : vector<16xf32> to vector<16xf32>
    %add3A_217 = arith.addf %add3A_213, %get3A_216 : vector<16xf32>
    %get3A_218 = arith.constant 512 : index
    %get3A_219 = tpu.vector_load %arg7[%get3A_218] {strides = array<i32>} : memref<1024xf32, #tpu.memory_space<vmem>>, vector<16xf32>,
    %get3A_220 = vector.shape_cast %get3A_219 : vector<16xf32> to vector<16xf32>
    %add3A_221 = arith.addf %add3A_217, %get3A_220 : vector<16xf32>
    %get3A_222 = arith.constant 528 : index
    %get3A_223 = tpu.vector_load %arg7[%get3A_222] {strides = array<i32>} : memref<1024xf32, #tpu.memory_space<vmem>>, vector<16xf32>,
    %get3A_224 = vector.shape_cast %get3A_223 : vector<16xf32> to vector<16xf32>
    %add3A_225 = arith.addf %add3A_221, %get3A_224 : vector<16xf32>
    %get3A_226 = arith.constant 544 : index
    %get3A_227 = tpu.vector_load %arg7[%get3A_226] {strides = array<i32>} : memref<1024xf32, #tpu.memory_space<vmem>>, vector<16xf32>,
    %get3A_228 = vector.shape_cast %get3A_227 : vector<16xf32> to vector<16xf32>
    %add3A_229 = arith.addf %add3A_225, %get3A_228 : vector<16xf32>
    %get3A_230 = arith.constant 560 : index
    %get3A_231 = tpu.vector_load %arg7[%get3A_230] {strides = array<i32>} : memref<1024xf32, #tpu.memory_space<vmem>>, vector<16xf32>,
    %get3A_232 = vector.shape_cast %get3A_231 : vector<16xf32> to vector<16xf32>
    %add3A_233 = arith.addf %add3A_229, %get3A_232 : vector<16xf32>
    %get3A_234 = arith.constant 576 : index
    %get3A_235 = tpu.vector_load %arg7[%get3A_234] {strides = array<i32>} : memref<1024xf32, #tpu.memory_space<vmem>>, vector<16xf32>,
    %get3A_236 = vector.shape_cast %get3A_235 : vector<16xf32> to vector<16xf32>
    %add3A_237 = arith.addf %add3A_233, %get3A_236 : vector<16xf32>
    %get3A_238 = arith.constant 592 : index
    %get3A_239 = tpu.vector_load %arg7[%get3A_238] {strides = array<i32>} : memref<1024xf32, #tpu.memory_space<vmem>>, vector<16xf32>,
    %get3A_240 = vector.shape_cast %get3A_239 : vector<16xf32> to vector<16xf32>
    %add3A_241 = arith.addf %add3A_237, %get3A_240 : vector<16xf32>
    %get3A_242 = arith.constant 608 : index
    %get3A_243 = tpu.vector_load %arg7[%get3A_242] {strides = array<i32>} : memref<1024xf32, #tpu.memory_space<vmem>>, vector<16xf32>,
    %get3A_244 = vector.shape_cast %get3A_243 : vector<16xf32> to vector<16xf32>
    %add3A_245 = arith.addf %add3A_241, %get3A_244 : vector<16xf32>
    %get3A_246 = arith.constant 624 : index
    %get3A_247 = tpu.vector_load %arg7[%get3A_246] {strides = array<i32>} : memref<1024xf32, #tpu.memory_space<vmem>>, vector<16xf32>,
    %get3A_248 = vector.shape_cast %get3A_247 : vector<16xf32> to vector<16xf32>
    %add3A_249 = arith.addf %add3A_245, %get3A_248 : vector<16xf32>
    %get3A_250 = arith.constant 640 : index
    %get3A_251 = tpu.vector_load %arg7[%get3A_250] {strides = array<i32>} : memref<1024xf32, #tpu.memory_space<vmem>>, vector<16xf32>,
    %get3A_252 = vector.shape_cast %get3A_251 : vector<16xf32> to vector<16xf32>
    %add3A_253 = arith.addf %add3A_249, %get3A_252 : vector<16xf32>
    %get3A_254 = arith.constant 656 : index
    %get3A_255 = tpu.vector_load %arg7[%get3A_254] {strides = array<i32>} : memref<1024xf32, #tpu.memory_space<vmem>>, vector<16xf32>,
    %get3A_256 = vector.shape_cast %get3A_255 : vector<16xf32> to vector<16xf32>
    %add3A_257 = arith.addf %add3A_253, %get3A_256 : vector<16xf32>
    %get3A_258 = arith.constant 672 : index
    %get3A_259 = tpu.vector_load %arg7[%get3A_258] {strides = array<i32>} : memref<1024xf32, #tpu.memory_space<vmem>>, vector<16xf32>,
    %get3A_260 = vector.shape_cast %get3A_259 : vector<16xf32> to vector<16xf32>
    %add3A_261 = arith.addf %add3A_257, %get3A_260 : vector<16xf32>
    %get3A_262 = arith.constant 688 : index
    %get3A_263 = tpu.vector_load %arg7[%get3A_262] {strides = array<i32>} : memref<1024xf32, #tpu.memory_space<vmem>>, vector<16xf32>,
    %get3A_264 = vector.shape_cast %get3A_263 : vector<16xf32> to vector<16xf32>
    %add3A_265 = arith.addf %add3A_261, %get3A_264 : vector<16xf32>
    %get3A_266 = arith.constant 704 : index
    %get3A_267 = tpu.vector_load %arg7[%get3A_266] {strides = array<i32>} : memref<1024xf32, #tpu.memory_space<vmem>>, vector<16xf32>,
    %get3A_268 = vector.shape_cast %get3A_267 : vector<16xf32> to vector<16xf32>
    %add3A_269 = arith.addf %add3A_265, %get3A_268 : vector<16xf32>
    %get3A_270 = arith.constant 720 : index
    %get3A_271 = tpu.vector_load %arg7[%get3A_270] {strides = array<i32>} : memref<1024xf32, #tpu.memory_space<vmem>>, vector<16xf32>,
    %get3A_272 = vector.shape_cast %get3A_271 : vector<16xf32> to vector<16xf32>
    %add3A_273 = arith.addf %add3A_269, %get3A_272 : vector<16xf32>
    %get3A_274 = arith.constant 736 : index
    %get3A_275 = tpu.vector_load %arg7[%get3A_274] {strides = array<i32>} : memref<1024xf32, #tpu.memory_space<vmem>>, vector<16xf32>,
    %get3A_276 = vector.shape_cast %get3A_275 : vector<16xf32> to vector<16xf32>
    %add3A_277 = arith.addf %add3A_273, %get3A_276 : vector<16xf32>
    %get3A_278 = arith.constant 752 : index
    %get3A_279 = tpu.vector_load %arg7[%get3A_278] {strides = array<i32>} : memref<1024xf32, #tpu.memory_space<vmem>>, vector<16xf32>,
    %get3A_280 = vector.shape_cast %get3A_279 : vector<16xf32> to vector<16xf32>
    %add3A_281 = arith.addf %add3A_277, %get3A_280 : vector<16xf32>
    %get3A_282 = arith.constant 768 : index
    %get3A_283 = tpu.vector_load %arg7[%get3A_282] {strides = array<i32>} : memref<1024xf32, #tpu.memory_space<vmem>>, vector<16xf32>,
    %get3A_284 = vector.shape_cast %get3A_283 : vector<16xf32> to vector<16xf32>
    %add3A_285 = arith.addf %add3A_281, %get3A_284 : vector<16xf32>
    %get3A_286 = arith.constant 784 : index
    %get3A_287 = tpu.vector_load %arg7[%get3A_286] {strides = array<i32>} : memref<1024xf32, #tpu.memory_space<vmem>>, vector<16xf32>,
    %get3A_288 = vector.shape_cast %get3A_287 : vector<16xf32> to vector<16xf32>
    %add3A_289 = arith.addf %add3A_285, %get3A_288 : vector<16xf32>
    %get3A_290 = arith.constant 800 : index
    %get3A_291 = tpu.vector_load %arg7[%get3A_290] {strides = array<i32>} : memref<1024xf32, #tpu.memory_space<vmem>>, vector<16xf32>,
    %get3A_292 = vector.shape_cast %get3A_291 : vector<16xf32> to vector<16xf32>
    %add3A_293 = arith.addf %add3A_289, %get3A_292 : vector<16xf32>
    %get3A_294 = arith.constant 816 : index
    %get3A_295 = tpu.vector_load %arg7[%get3A_294] {strides = array<i32>} : memref<1024xf32, #tpu.memory_space<vmem>>, vector<16xf32>,
    %get3A_296 = vector.shape_cast %get3A_295 : vector<16xf32> to vector<16xf32>
    %add3A_297 = arith.addf %add3A_293, %get3A_296 : vector<16xf32>
    %get3A_298 = arith.constant 832 : index
    %get3A_299 = tpu.vector_load %arg7[%get3A_298] {strides = array<i32>} : memref<1024xf32, #tpu.memory_space<vmem>>, vector<16xf32>,
    %get3A_300 = vector.shape_cast %get3A_299 : vector<16xf32> to vector<16xf32>
    %add3A_301 = arith.addf %add3A_297, %get3A_300 : vector<16xf32>
    %get3A_302 = arith.constant 848 : index
    %get3A_303 = tpu.vector_load %arg7[%get3A_302] {strides = array<i32>} : memref<1024xf32, #tpu.memory_space<vmem>>, vector<16xf32>,
    %get3A_304 = vector.shape_cast %get3A_303 : vector<16xf32> to vector<16xf32>
    %add3A_305 = arith.addf %add3A_301, %get3A_304 : vector<16xf32>
    %get3A_306 = arith.constant 864 : index
    %get3A_307 = tpu.vector_load %arg7[%get3A_306] {strides = array<i32>} : memref<1024xf32, #tpu.memory_space<vmem>>, vector<16xf32>,
    %get3A_308 = vector.shape_cast %get3A_307 : vector<16xf32> to vector<16xf32>
    %add3A_309 = arith.addf %add3A_305, %get3A_308 : vector<16xf32>
    %get3A_310 = arith.constant 880 : index
    %get3A_311 = tpu.vector_load %arg7[%get3A_310] {strides = array<i32>} : memref<1024xf32, #tpu.memory_space<vmem>>, vector<16xf32>,
    %get3A_312 = vector.shape_cast %get3A_311 : vector<16xf32> to vector<16xf32>
    %add3A_313 = arith.addf %add3A_309, %get3A_312 : vector<16xf32>
    %get3A_314 = arith.constant 896 : index
    %get3A_315 = tpu.vector_load %arg7[%get3A_314] {strides = array<i32>} : memref<1024xf32, #tpu.memory_space<vmem>>, vector<16xf32>,
    %get3A_316 = vector.shape_cast %get3A_315 : vector<16xf32> to vector<16xf32>
    %add3A_317 = arith.addf %add3A_313, %get3A_316 : vector<16xf32>
    %get3A_318 = arith.constant 912 : index
    %get3A_319 = tpu.vector_load %arg7[%get3A_318] {strides = array<i32>} : memref<1024xf32, #tpu.memory_space<vmem>>, vector<16xf32>,
    %get3A_320 = vector.shape_cast %get3A_319 : vector<16xf32> to vector<16xf32>
    %add3A_321 = arith.addf %add3A_317, %get3A_320 : vector<16xf32>
    %get3A_322 = arith.constant 928 : index
    %get3A_323 = tpu.vector_load %arg7[%get3A_322] {strides = array<i32>} : memref<1024xf32, #tpu.memory_space<vmem>>, vector<16xf32>,
    %get3A_324 = vector.shape_cast %get3A_323 : vector<16xf32> to vector<16xf32>
    %add3A_325 = arith.addf %add3A_321, %get3A_324 : vector<16xf32>
    %get3A_326 = arith.constant 944 : index
    %get3A_327 = tpu.vector_load %arg7[%get3A_326] {strides = array<i32>} : memref<1024xf32, #tpu.memory_space<vmem>>, vector<16xf32>,
    %get3A_328 = vector.shape_cast %get3A_327 : vector<16xf32> to vector<16xf32>
    %add3A_329 = arith.addf %add3A_325, %get3A_328 : vector<16xf32>
    %get3A_330 = arith.constant 960 : index
    %get3A_331 = tpu.vector_load %arg7[%get3A_330] {strides = array<i32>} : memref<1024xf32, #tpu.memory_space<vmem>>, vector<16xf32>,
    %get3A_332 = vector.shape_cast %get3A_331 : vector<16xf32> to vector<16xf32>
    %add3A_333 = arith.addf %add3A_329, %get3A_332 : vector<16xf32>
    %get3A_334 = arith.constant 976 : index
    %get3A_335 = tpu.vector_load %arg7[%get3A_334] {strides = array<i32>} : memref<1024xf32, #tpu.memory_space<vmem>>, vector<16xf32>,
    %get3A_336 = vector.shape_cast %get3A_335 : vector<16xf32> to vector<16xf32>
    %add3A_337 = arith.addf %add3A_333, %get3A_336 : vector<16xf32>
    %get3A_338 = arith.constant 992 : index
    %get3A_339 = tpu.vector_load %arg7[%get3A_338] {strides = array<i32>} : memref<1024xf32, #tpu.memory_space<vmem>>, vector<16xf32>,
    %get3A_340 = vector.shape_cast %get3A_339 : vector<16xf32> to vector<16xf32>
    %add3A_341 = arith.addf %add3A_337, %get3A_340 : vector<16xf32>
    %get3A_342 = arith.constant 1008 : index
    %get3A_343 = tpu.vector_load %arg7[%get3A_342] {strides = array<i32>} : memref<1024xf32, #tpu.memory_space<vmem>>, vector<16xf32>,
    %get3A_344 = vector.shape_cast %get3A_343 : vector<16xf32> to vector<16xf32>
    %add3A_345 = arith.addf %add3A_341, %get3A_344 : vector<16xf32>
    %xor3A = arith.constant 8 : i32
    %xor3A_346 = vector.broadcast %xor3A : i32 to vector<16xi32>
    %xor3A_347 = arith.xori %iota3A, %xor3A_346 : vector<16xi32>
    %reshape3A_348 = vector.shape_cast %xor3A_347 : vector<16xi32> to vector<16x1xi32>
    %gather3A_349 = vector.shape_cast %reshape3A_348 : vector<16x1xi32> to vector<16xi32>
    %gather3A_350 = tpu.dynamic_gather %add3A_345[%gather3A_349] in [0] : vector<16xf32>, vector<16xi32> -> vector<16xf32>
    %add3A_351 = arith.addf %add3A_345, %gather3A_350 : vector<16xf32>
    %xor3A_352 = arith.constant 4 : i32
    %xor3A_353 = vector.broadcast %xor3A_352 : i32 to vector<16xi32>
    %xor3A_354 = arith.xori %iota3A, %xor3A_353 : vector<16xi32>
    %reshape3A_355 = vector.shape_cast %xor3A_354 : vector<16xi32> to vector<16x1xi32>
    %gather3A_356 = vector.shape_cast %reshape3A_355 : vector<16x1xi32> to vector<16xi32>
    %gather3A_357 = tpu.dynamic_gather %add3A_351[%gather3A_356] in [0] : vector<16xf32>, vector<16xi32> -> vector<16xf32>
    %add3A_358 = arith.addf %add3A_351, %gather3A_357 : vector<16xf32>
    %xor3A_359 = arith.constant 2 : i32
    %xor3A_360 = vector.broadcast %xor3A_359 : i32 to vector<16xi32>
    %xor3A_361 = arith.xori %iota3A, %xor3A_360 : vector<16xi32>
    %reshape3A_362 = vector.shape_cast %xor3A_361 : vector<16xi32> to vector<16x1xi32>
    %gather3A_363 = vector.shape_cast %reshape3A_362 : vector<16x1xi32> to vector<16xi32>
    %gather3A_364 = tpu.dynamic_gather %add3A_358[%gather3A_363] in [0] : vector<16xf32>, vector<16xi32> -> vector<16xf32>
    %add3A_365 = arith.addf %add3A_358, %gather3A_364 : vector<16xf32>
    %xor3A_366 = arith.constant 1 : i32
    %xor3A_367 = vector.broadcast %xor3A_366 : i32 to vector<16xi32>
    %xor3A_368 = arith.xori %iota3A, %xor3A_367 : vector<16xi32>
    %reshape3A_369 = vector.shape_cast %xor3A_368 : vector<16xi32> to vector<16x1xi32>
    %gather3A_370 = vector.shape_cast %reshape3A_369 : vector<16x1xi32> to vector<16xi32>
    %gather3A_371 = tpu.dynamic_gather %add3A_365[%gather3A_370] in [0] : vector<16xf32>, vector<16xi32> -> vector<16xf32>
    %add3A_372 = arith.addf %add3A_365, %gather3A_371 : vector<16xf32>
    %max3A = arith.constant 1.000000e+00 : f32
    %max3A_373 = vector.broadcast %max3A : f32 to vector<16xf32>
    %max3A_374 = arith.maximumf %add3A_372, %max3A_373 : vector<16xf32>
    %div3A_375 = arith.constant 1.000000e+00 : f32
    %div3A_376 = vector.broadcast %div3A_375 : f32 to vector<16xf32>
    %div3A_377 = arith.divf %div3A_376, %max3A_374 : vector<16xf32>
    %swap3A = arith.constant 0 : index
    %swap3A_378 = tpu.vector_load %arg9[%swap3A] {strides = array<i32>} : memref<32xf32, #tpu.memory_space<vmem>>, vector<16xf32>,
    %swap3A_379 = vector.shape_cast %swap3A_378 : vector<16xf32> to vector<16xf32>
    %swap3A_380 = vector.shape_cast %div3A_377 : vector<16xf32> to vector<16xf32>
    tpu.vector_store %arg9[%swap3A], %swap3A_380 {strides = array<i32>} : memref<32xf32, #tpu.memory_space<vmem>>, vector<16xf32>,
    %convert_element_type3A = arith.sitofp %gather3A_38 : vector<16xi32> to vector<16xf32>
    %swap3A_381 = arith.constant 16 : index
    %swap3A_382 = tpu.vector_load %arg9[%swap3A_381] {strides = array<i32>} : memref<32xf32, #tpu.memory_space<vmem>>, vector<16xf32>,
    %swap3A_383 = vector.shape_cast %swap3A_382 : vector<16xf32> to vector<16xf32>
    %swap3A_384 = vector.shape_cast %convert_element_type3A : vector<16xf32> to vector<16xf32>
    tpu.vector_store %arg9[%swap3A_381], %swap3A_384 {strides = array<i32>} : memref<32xf32, #tpu.memory_space<vmem>>, vector<16xf32>,
    "tpu.region"() ({
      %run_scoped3A = tpu.sem_alloc : memref<!tpu.dma_semaphore, #tpu.memory_space<semaphore_mem>>
      %dma_start3A_385 = arith.constant 0 : i32
      %dma_start3A_386 = tpu.memref_slice %arg5[%select_n3A_9, %select_n3A_30, %dma_start3A_385] : memref<16x2x32xf32, #tpu.memory_space<hbm>> -> memref<1x1x32xf32, #tpu.memory_space<hbm>>
      %dma_start3A_387 = tpu.memref_squeeze %dma_start3A_386 : memref<1x1x32xf32, #tpu.memory_space<hbm>> -> memref<32xf32, #tpu.memory_space<hbm>>
      %dma_start3A_388 = arith.constant 0 : i32
      %dma_start3A_389 = tpu.memref_slice %arg5[%select_n3A_9, %select_n3A_30, %dma_start3A_388] : memref<16x2x32xf32, #tpu.memory_space<hbm>> -> memref<1x1x32xf32, #tpu.memory_space<hbm>>
      %dma_start3A_390 = tpu.memref_squeeze %dma_start3A_389 : memref<1x1x32xf32, #tpu.memory_space<hbm>> -> memref<32xf32, #tpu.memory_space<hbm>>
      tpu.enqueue_dma source(%arg9 : memref<32xf32, #tpu.memory_space<vmem>>) target(%dma_start3A_390 : memref<32xf32, #tpu.memory_space<hbm>>) target_semaphore(%run_scoped3A : memref<!tpu.dma_semaphore, #tpu.memory_space<semaphore_mem>>)
      %dma_wait3A_391 = arith.constant 0 : i32
      %dma_wait3A_392 = tpu.memref_slice %arg5[%select_n3A_9, %select_n3A_30, %dma_wait3A_391] : memref<16x2x32xf32, #tpu.memory_space<hbm>> -> memref<1x1x32xf32, #tpu.memory_space<hbm>>
      %dma_wait3A_393 = tpu.memref_squeeze %dma_wait3A_392 : memref<1x1x32xf32, #tpu.memory_space<hbm>> -> memref<32xf32, #tpu.memory_space<hbm>>
      %dma_wait3A_394 = arith.constant 0 : i32
      %dma_wait3A_395 = tpu.memref_slice %arg5[%select_n3A_9, %select_n3A_30, %dma_wait3A_394] : memref<16x2x32xf32, #tpu.memory_space<hbm>> -> memref<1x1x32xf32, #tpu.memory_space<hbm>>
      %dma_wait3A_396 = tpu.memref_squeeze %dma_wait3A_395 : memref<1x1x32xf32, #tpu.memory_space<hbm>> -> memref<32xf32, #tpu.memory_space<hbm>>
      tpu.wait_dma2 semaphore(%run_scoped3A : memref<!tpu.dma_semaphore, #tpu.memory_space<semaphore_mem>>) src(%arg9 : memref<32xf32, #tpu.memory_space<vmem>>) dst(%dma_wait3A_396 : memref<32xf32, #tpu.memory_space<hbm>>)
      tpu.yield
    }) : () -> ()
    return
  }
}

module attributes {stable_mosaic.version = 14 : i64} {
  func.func @_gnn_body(%arg0: i32, %arg1: memref<2x1024x128xf32, #tpu.memory_space<vmem>>, %arg2: memref<2x1024x1024xf32, #tpu.memory_space<vmem>>, %arg3: memref<128x64xf32, #tpu.memory_space<vmem>>, %arg4: memref<1x64xf32, #tpu.memory_space<vmem>>, %arg5: memref<64x64xf32, #tpu.memory_space<vmem>>, %arg6: memref<1x64xf32, #tpu.memory_space<vmem>>, %arg7: memref<64x64xf32, #tpu.memory_space<vmem>>, %arg8: memref<1x64xf32, #tpu.memory_space<vmem>>, %arg9: memref<64x64xf32, #tpu.memory_space<vmem>>, %arg10: memref<1x64xf32, #tpu.memory_space<vmem>>, %arg11: memref<2x64x1024xf32, #tpu.memory_space<vmem>>) attributes {dimension_semantics = [#tpu.dimension_semantics<arbitrary>], iteration_bounds = array<i64: 4>, scalar_prefetch = 0 : i64, scratch_operands = 0 : i64, tpu.core_type = #tpu.core_type<tc>, window_params = [{transform_indices = @transform_0, window_bounds = array<i64: 2, 1024, 128>}, {transform_indices = @transform_1, window_bounds = array<i64: 2, 1024, 1024>}, {pipeline_mode = #tpu.pipeline_mode<synchronous>, transform_indices = @transform_2, window_bounds = array<i64: 128, 64>}, {pipeline_mode = #tpu.pipeline_mode<synchronous>, transform_indices = @transform_3, window_bounds = array<i64: 1, 64>}, {pipeline_mode = #tpu.pipeline_mode<synchronous>, transform_indices = @transform_4, window_bounds = array<i64: 64, 64>}, {pipeline_mode = #tpu.pipeline_mode<synchronous>, transform_indices = @transform_5, window_bounds = array<i64: 1, 64>}, {pipeline_mode = #tpu.pipeline_mode<synchronous>, transform_indices = @transform_6, window_bounds = array<i64: 64, 64>}, {pipeline_mode = #tpu.pipeline_mode<synchronous>, transform_indices = @transform_7, window_bounds = array<i64: 1, 64>}, {pipeline_mode = #tpu.pipeline_mode<synchronous>, transform_indices = @transform_8, window_bounds = array<i64: 64, 64>}, {pipeline_mode = #tpu.pipeline_mode<synchronous>, transform_indices = @transform_9, window_bounds = array<i64: 1, 64>}, {transform_indices = @transform_10, window_bounds = array<i64: 2, 64, 1024>}]} {
    %get3A = arith.constant 0 : index
    %get3A_0 = arith.constant 0 : index
    %get3A_1 = arith.constant 0 : index
    %get3A_2 = vector.load %arg2[%get3A, %get3A_0, %get3A_1] : memref<2x1024x1024xf32, #tpu.memory_space<vmem>>, vector<1x1024x1024xf32>
    %get3A_3 = vector.shape_cast %get3A_2 : vector<1x1024x1024xf32> to vector<1024x1024xf32>
    %get3A_4 = arith.constant 1 : index
    %get3A_5 = arith.constant 0 : index
    %get3A_6 = arith.constant 0 : index
    %get3A_7 = vector.load %arg2[%get3A_4, %get3A_5, %get3A_6] : memref<2x1024x1024xf32, #tpu.memory_space<vmem>>, vector<1x1024x1024xf32>
    %get3A_8 = vector.shape_cast %get3A_7 : vector<1x1024x1024xf32> to vector<1024x1024xf32>
    %get3A_9 = arith.constant 0 : index
    %get3A_10 = arith.constant 0 : index
    %get3A_11 = vector.load %arg3[%get3A_9, %get3A_10] : memref<128x64xf32, #tpu.memory_space<vmem>>, vector<128x64xf32>
    %get3A_12 = arith.constant 0 : index
    %get3A_13 = arith.constant 0 : index
    %get3A_14 = vector.load %arg4[%get3A_12, %get3A_13] : memref<1x64xf32, #tpu.memory_space<vmem>>, vector<1x64xf32>
    %get3A_15 = arith.constant 0 : index
    %get3A_16 = arith.constant 0 : index
    %get3A_17 = vector.load %arg5[%get3A_15, %get3A_16] : memref<64x64xf32, #tpu.memory_space<vmem>>, vector<64x64xf32>
    %get3A_18 = arith.constant 0 : index
    %get3A_19 = arith.constant 0 : index
    %get3A_20 = vector.load %arg6[%get3A_18, %get3A_19] : memref<1x64xf32, #tpu.memory_space<vmem>>, vector<1x64xf32>
    %get3A_21 = arith.constant 0 : index
    %get3A_22 = arith.constant 0 : index
    %get3A_23 = vector.load %arg7[%get3A_21, %get3A_22] : memref<64x64xf32, #tpu.memory_space<vmem>>, vector<64x64xf32>
    %get3A_24 = arith.constant 0 : index
    %get3A_25 = arith.constant 0 : index
    %get3A_26 = vector.load %arg8[%get3A_24, %get3A_25] : memref<1x64xf32, #tpu.memory_space<vmem>>, vector<1x64xf32>
    %get3A_27 = arith.constant 0 : index
    %get3A_28 = arith.constant 0 : index
    %get3A_29 = vector.load %arg9[%get3A_27, %get3A_28] : memref<64x64xf32, #tpu.memory_space<vmem>>, vector<64x64xf32>
    %get3A_30 = arith.constant 0 : index
    %get3A_31 = arith.constant 0 : index
    %get3A_32 = vector.load %arg10[%get3A_30, %get3A_31] : memref<1x64xf32, #tpu.memory_space<vmem>>, vector<1x64xf32>
    %get3A_33 = arith.constant 0 : index
    %get3A_34 = arith.constant 0 : index
    %get3A_35 = arith.constant 0 : index
    %get3A_36 = vector.load %arg1[%get3A_33, %get3A_34, %get3A_35] : memref<2x1024x128xf32, #tpu.memory_space<vmem>>, vector<1x1024x128xf32>
    %get3A_37 = vector.shape_cast %get3A_36 : vector<1x1024x128xf32> to vector<1024x128xf32>
    %dot_general3A = arith.constant dense<0.000000e+00> : vector<1024x64xf32>
    %dot_general3A_38 = tpu.matmul %get3A_37, %get3A_11, %dot_general3A {dimension_numbers = #tpu.dot_dimension_numbers<[1], [0], [0], [1], [0, 0, 1, 1], [], []>, transpose_lhs_hint = false} : vector<1024x128xf32>, vector<128x64xf32>, vector<1024x64xf32> -> vector<1024x64xf32>
    %add3A = vector.broadcast %get3A_14 : vector<1x64xf32> to vector<1024x64xf32>
    %add3A_39 = arith.addf %dot_general3A_38, %add3A : vector<1024x64xf32>
    %max3A = arith.constant 0.000000e+00 : f32
    %max3A_40 = vector.broadcast %max3A : f32 to vector<1024x64xf32>
    %max3A_41 = arith.maximumf %add3A_39, %max3A_40 : vector<1024x64xf32>
    %get3A_42 = arith.constant 1 : index
    %get3A_43 = arith.constant 0 : index
    %get3A_44 = arith.constant 0 : index
    %get3A_45 = vector.load %arg1[%get3A_42, %get3A_43, %get3A_44] : memref<2x1024x128xf32, #tpu.memory_space<vmem>>, vector<1x1024x128xf32>
    %get3A_46 = vector.shape_cast %get3A_45 : vector<1x1024x128xf32> to vector<1024x128xf32>
    %dot_general3A_47 = arith.constant dense<0.000000e+00> : vector<1024x64xf32>
    %dot_general3A_48 = tpu.matmul %get3A_46, %get3A_11, %dot_general3A_47 {dimension_numbers = #tpu.dot_dimension_numbers<[1], [0], [0], [1], [0, 0, 1, 1], [], []>, transpose_lhs_hint = false} : vector<1024x128xf32>, vector<128x64xf32>, vector<1024x64xf32> -> vector<1024x64xf32>
    %add3A_49 = vector.broadcast %get3A_14 : vector<1x64xf32> to vector<1024x64xf32>
    %add3A_50 = arith.addf %dot_general3A_48, %add3A_49 : vector<1024x64xf32>
    %max3A_51 = arith.constant 0.000000e+00 : f32
    %max3A_52 = vector.broadcast %max3A_51 : f32 to vector<1024x64xf32>
    %max3A_53 = arith.maximumf %add3A_50, %max3A_52 : vector<1024x64xf32>
    %dot_general3A_54 = arith.constant dense<0.000000e+00> : vector<1024x64xf32>
    %dot_general3A_55 = tpu.matmul %max3A_41, %get3A_17, %dot_general3A_54 {dimension_numbers = #tpu.dot_dimension_numbers<[1], [0], [0], [1], [0, 0, 1, 1], [], []>, transpose_lhs_hint = false} : vector<1024x64xf32>, vector<64x64xf32>, vector<1024x64xf32> -> vector<1024x64xf32>
    %dot_general3A_56 = arith.constant dense<0.000000e+00> : vector<1024x64xf32>
    %dot_general3A_57 = tpu.matmul %max3A_53, %get3A_17, %dot_general3A_56 {dimension_numbers = #tpu.dot_dimension_numbers<[1], [0], [0], [1], [0, 0, 1, 1], [], []>, transpose_lhs_hint = false} : vector<1024x64xf32>, vector<64x64xf32>, vector<1024x64xf32> -> vector<1024x64xf32>
    %dot_general3A_58 = arith.constant dense<0.000000e+00> : vector<1024x64xf32>
    %dot_general3A_59 = tpu.matmul %get3A_3, %dot_general3A_55, %dot_general3A_58 {dimension_numbers = #tpu.dot_dimension_numbers<[1], [0], [0], [1], [0, 0, 1, 1], [], []>, transpose_lhs_hint = false} : vector<1024x1024xf32>, vector<1024x64xf32>, vector<1024x64xf32> -> vector<1024x64xf32>
    %add3A_60 = vector.broadcast %get3A_20 : vector<1x64xf32> to vector<1024x64xf32>
    %add3A_61 = arith.addf %dot_general3A_59, %add3A_60 : vector<1024x64xf32>
    %max3A_62 = arith.constant 0.000000e+00 : f32
    %max3A_63 = vector.broadcast %max3A_62 : f32 to vector<1024x64xf32>
    %max3A_64 = arith.maximumf %add3A_61, %max3A_63 : vector<1024x64xf32>
    %dot_general3A_65 = arith.constant dense<0.000000e+00> : vector<1024x64xf32>
    %dot_general3A_66 = tpu.matmul %get3A_8, %dot_general3A_57, %dot_general3A_65 {dimension_numbers = #tpu.dot_dimension_numbers<[1], [0], [0], [1], [0, 0, 1, 1], [], []>, transpose_lhs_hint = false} : vector<1024x1024xf32>, vector<1024x64xf32>, vector<1024x64xf32> -> vector<1024x64xf32>
    %add3A_67 = vector.broadcast %get3A_20 : vector<1x64xf32> to vector<1024x64xf32>
    %add3A_68 = arith.addf %dot_general3A_66, %add3A_67 : vector<1024x64xf32>
    %max3A_69 = arith.constant 0.000000e+00 : f32
    %max3A_70 = vector.broadcast %max3A_69 : f32 to vector<1024x64xf32>
    %max3A_71 = arith.maximumf %add3A_68, %max3A_70 : vector<1024x64xf32>
    %dot_general3A_72 = arith.constant dense<0.000000e+00> : vector<1024x64xf32>
    %dot_general3A_73 = tpu.matmul %max3A_64, %get3A_23, %dot_general3A_72 {dimension_numbers = #tpu.dot_dimension_numbers<[1], [0], [0], [1], [0, 0, 1, 1], [], []>, transpose_lhs_hint = false} : vector<1024x64xf32>, vector<64x64xf32>, vector<1024x64xf32> -> vector<1024x64xf32>
    %dot_general3A_74 = arith.constant dense<0.000000e+00> : vector<1024x64xf32>
    %dot_general3A_75 = tpu.matmul %max3A_71, %get3A_23, %dot_general3A_74 {dimension_numbers = #tpu.dot_dimension_numbers<[1], [0], [0], [1], [0, 0, 1, 1], [], []>, transpose_lhs_hint = false} : vector<1024x64xf32>, vector<64x64xf32>, vector<1024x64xf32> -> vector<1024x64xf32>
    %dot_general3A_76 = arith.constant dense<0.000000e+00> : vector<1024x64xf32>
    %dot_general3A_77 = tpu.matmul %get3A_3, %dot_general3A_73, %dot_general3A_76 {dimension_numbers = #tpu.dot_dimension_numbers<[1], [0], [0], [1], [0, 0, 1, 1], [], []>, transpose_lhs_hint = false} : vector<1024x1024xf32>, vector<1024x64xf32>, vector<1024x64xf32> -> vector<1024x64xf32>
    %add3A_78 = vector.broadcast %get3A_26 : vector<1x64xf32> to vector<1024x64xf32>
    %add3A_79 = arith.addf %dot_general3A_77, %add3A_78 : vector<1024x64xf32>
    %max3A_80 = arith.constant 0.000000e+00 : f32
    %max3A_81 = vector.broadcast %max3A_80 : f32 to vector<1024x64xf32>
    %max3A_82 = arith.maximumf %add3A_79, %max3A_81 : vector<1024x64xf32>
    %dot_general3A_83 = arith.constant dense<0.000000e+00> : vector<1024x64xf32>
    %dot_general3A_84 = tpu.matmul %get3A_8, %dot_general3A_75, %dot_general3A_83 {dimension_numbers = #tpu.dot_dimension_numbers<[1], [0], [0], [1], [0, 0, 1, 1], [], []>, transpose_lhs_hint = false} : vector<1024x1024xf32>, vector<1024x64xf32>, vector<1024x64xf32> -> vector<1024x64xf32>
    %add3A_85 = vector.broadcast %get3A_26 : vector<1x64xf32> to vector<1024x64xf32>
    %add3A_86 = arith.addf %dot_general3A_84, %add3A_85 : vector<1024x64xf32>
    %max3A_87 = arith.constant 0.000000e+00 : f32
    %max3A_88 = vector.broadcast %max3A_87 : f32 to vector<1024x64xf32>
    %max3A_89 = arith.maximumf %add3A_86, %max3A_88 : vector<1024x64xf32>
    %dot_general3A_90 = arith.constant dense<0.000000e+00> : vector<1024x64xf32>
    %dot_general3A_91 = tpu.matmul %max3A_82, %get3A_29, %dot_general3A_90 {dimension_numbers = #tpu.dot_dimension_numbers<[1], [0], [0], [1], [0, 0, 1, 1], [], []>, transpose_lhs_hint = false} : vector<1024x64xf32>, vector<64x64xf32>, vector<1024x64xf32> -> vector<1024x64xf32>
    %dot_general3A_92 = arith.constant dense<0.000000e+00> : vector<1024x64xf32>
    %dot_general3A_93 = tpu.matmul %max3A_89, %get3A_29, %dot_general3A_92 {dimension_numbers = #tpu.dot_dimension_numbers<[1], [0], [0], [1], [0, 0, 1, 1], [], []>, transpose_lhs_hint = false} : vector<1024x64xf32>, vector<64x64xf32>, vector<1024x64xf32> -> vector<1024x64xf32>
    %dot_general3A_94 = arith.constant dense<0.000000e+00> : vector<1024x64xf32>
    %dot_general3A_95 = tpu.matmul %get3A_3, %dot_general3A_91, %dot_general3A_94 {dimension_numbers = #tpu.dot_dimension_numbers<[1], [0], [0], [1], [0, 0, 1, 1], [], []>, transpose_lhs_hint = false} : vector<1024x1024xf32>, vector<1024x64xf32>, vector<1024x64xf32> -> vector<1024x64xf32>
    %add3A_96 = vector.broadcast %get3A_32 : vector<1x64xf32> to vector<1024x64xf32>
    %add3A_97 = arith.addf %dot_general3A_95, %add3A_96 : vector<1024x64xf32>
    %dot_general3A_98 = arith.constant dense<0.000000e+00> : vector<1024x64xf32>
    %dot_general3A_99 = tpu.matmul %get3A_8, %dot_general3A_93, %dot_general3A_98 {dimension_numbers = #tpu.dot_dimension_numbers<[1], [0], [0], [1], [0, 0, 1, 1], [], []>, transpose_lhs_hint = false} : vector<1024x1024xf32>, vector<1024x64xf32>, vector<1024x64xf32> -> vector<1024x64xf32>
    %add3A_100 = vector.broadcast %get3A_32 : vector<1x64xf32> to vector<1024x64xf32>
    %add3A_101 = arith.addf %dot_general3A_99, %add3A_100 : vector<1024x64xf32>
    %exp3A = math.exp %add3A_97 : vector<1024x64xf32>
    %exp3A_102 = math.exp %add3A_101 : vector<1024x64xf32>
    %reduce_sum3A = arith.constant dense<0.000000e+00> : vector<1024xf32>
    %reduce_sum3A_103 = vector.multi_reduction <add>, %exp3A, %reduce_sum3A [1] : vector<1024x64xf32> to vector<1024xf32>
    %broadcast_in_dim3A = vector.shape_cast %reduce_sum3A_103 : vector<1024xf32> to vector<1024x1xf32>
    %div3A = vector.broadcast %broadcast_in_dim3A : vector<1024x1xf32> to vector<1024x64xf32>
    %div3A_104 = arith.divf %exp3A, %div3A : vector<1024x64xf32>
    %add3A_105 = arith.addf %div3A_104, %max3A_41 : vector<1024x64xf32>
    %reduce_sum3A_106 = arith.constant dense<0.000000e+00> : vector<1024xf32>
    %reduce_sum3A_107 = vector.multi_reduction <add>, %exp3A_102, %reduce_sum3A_106 [1] : vector<1024x64xf32> to vector<1024xf32>
    %broadcast_in_dim3A_108 = vector.shape_cast %reduce_sum3A_107 : vector<1024xf32> to vector<1024x1xf32>
    %div3A_109 = vector.broadcast %broadcast_in_dim3A_108 : vector<1024x1xf32> to vector<1024x64xf32>
    %div3A_110 = arith.divf %exp3A_102, %div3A_109 : vector<1024x64xf32>
    %add3A_111 = arith.addf %div3A_110, %max3A_53 : vector<1024x64xf32>
    %transpose3A = tpu.transpose %add3A_105, [1, 0] : vector<1024x64xf32> -> vector<64x1024xf32>
    %swap3A = arith.constant 0 : index
    %swap3A_112 = arith.constant 0 : index
    %swap3A_113 = arith.constant 0 : index
    %swap3A_114 = vector.load %arg11[%swap3A, %swap3A_112, %swap3A_113] : memref<2x64x1024xf32, #tpu.memory_space<vmem>>, vector<1x64x1024xf32>
    %swap3A_115 = vector.shape_cast %swap3A_114 : vector<1x64x1024xf32> to vector<64x1024xf32>
    %swap3A_116 = vector.shape_cast %transpose3A : vector<64x1024xf32> to vector<1x64x1024xf32>
    tpu.vector_store %arg11[%swap3A, %swap3A_112, %swap3A_113], %swap3A_116 {strides = array<i32>} : memref<2x64x1024xf32, #tpu.memory_space<vmem>>, vector<1x64x1024xf32>,
    %transpose3A_117 = tpu.transpose %add3A_111, [1, 0] : vector<1024x64xf32> -> vector<64x1024xf32>
    %swap3A_118 = arith.constant 1 : index
    %swap3A_119 = arith.constant 0 : index
    %swap3A_120 = arith.constant 0 : index
    %swap3A_121 = vector.load %arg11[%swap3A_118, %swap3A_119, %swap3A_120] : memref<2x64x1024xf32, #tpu.memory_space<vmem>>, vector<1x64x1024xf32>
    %swap3A_122 = vector.shape_cast %swap3A_121 : vector<1x64x1024xf32> to vector<64x1024xf32>
    %swap3A_123 = vector.shape_cast %transpose3A_117 : vector<64x1024xf32> to vector<1x64x1024xf32>
    tpu.vector_store %arg11[%swap3A_118, %swap3A_119, %swap3A_120], %swap3A_123 {strides = array<i32>} : memref<2x64x1024xf32, #tpu.memory_space<vmem>>, vector<1x64x1024xf32>,
    return
  }
  func.func @transform_0(%arg0: i32) -> (i32, i32, i32) {
    %c0_i32 = arith.constant 0 : i32
    %c0_i32_0 = arith.constant 0 : i32
    %c0_i32_1 = arith.constant 0 : i32
    return %arg0, %c0_i32, %c0_i32_0 : i32, i32, i32
  }
  func.func @transform_1(%arg0: i32) -> (i32, i32, i32) {
    %c0_i32 = arith.constant 0 : i32
    %c0_i32_0 = arith.constant 0 : i32
    %c0_i32_1 = arith.constant 0 : i32
    return %arg0, %c0_i32, %c0_i32_0 : i32, i32, i32
  }
  func.func @transform_2(%arg0: i32) -> (i32, i32) {
    %c0_i32 = arith.constant 0 : i32
    %c0_i32_0 = arith.constant 0 : i32
    %c0_i32_1 = arith.constant 0 : i32
    return %c0_i32, %c0_i32_0 : i32, i32
  }
  func.func @transform_3(%arg0: i32) -> (i32, i32) {
    %c0_i32 = arith.constant 0 : i32
    %c0_i32_0 = arith.constant 0 : i32
    %c0_i32_1 = arith.constant 0 : i32
    return %c0_i32, %c0_i32_0 : i32, i32
  }
  func.func @transform_4(%arg0: i32) -> (i32, i32) {
    %c0_i32 = arith.constant 0 : i32
    %c0_i32_0 = arith.constant 0 : i32
    %c0_i32_1 = arith.constant 0 : i32
    return %c0_i32, %c0_i32_0 : i32, i32
  }
  func.func @transform_5(%arg0: i32) -> (i32, i32) {
    %c0_i32 = arith.constant 0 : i32
    %c0_i32_0 = arith.constant 0 : i32
    %c0_i32_1 = arith.constant 0 : i32
    return %c0_i32, %c0_i32_0 : i32, i32
  }
  func.func @transform_6(%arg0: i32) -> (i32, i32) {
    %c0_i32 = arith.constant 0 : i32
    %c0_i32_0 = arith.constant 0 : i32
    %c0_i32_1 = arith.constant 0 : i32
    return %c0_i32, %c0_i32_0 : i32, i32
  }
  func.func @transform_7(%arg0: i32) -> (i32, i32) {
    %c0_i32 = arith.constant 0 : i32
    %c0_i32_0 = arith.constant 0 : i32
    %c0_i32_1 = arith.constant 0 : i32
    return %c0_i32, %c0_i32_0 : i32, i32
  }
  func.func @transform_8(%arg0: i32) -> (i32, i32) {
    %c0_i32 = arith.constant 0 : i32
    %c0_i32_0 = arith.constant 0 : i32
    %c0_i32_1 = arith.constant 0 : i32
    return %c0_i32, %c0_i32_0 : i32, i32
  }
  func.func @transform_9(%arg0: i32) -> (i32, i32) {
    %c0_i32 = arith.constant 0 : i32
    %c0_i32_0 = arith.constant 0 : i32
    %c0_i32_1 = arith.constant 0 : i32
    return %c0_i32, %c0_i32_0 : i32, i32
  }
  func.func @transform_10(%arg0: i32) -> (i32, i32, i32) {
    %c0_i32 = arith.constant 0 : i32
    %c0_i32_0 = arith.constant 0 : i32
    %c0_i32_1 = arith.constant 0 : i32
    return %arg0, %c0_i32, %c0_i32_0 : i32, i32, i32
  }
}

</mosaic_0001>

<sc_bundles>
// kernel: kernel.4.cloned.1.call-start
scs
__scs_entry_jumppad:
0x0: {  	(pc) =	sbr.rel $0x88, $3  }
0x1: {  	(tag) =	ssettag $0x0;
	lr =	simm.s32 $0x1  }
0x2: {  	[smem:$0x3F95] =	sst lr;
	_ =	strace $0xD0000000  }
0x3: {  	_ = 	snop  }
0x4: {  	_ = 	snop  }
0x5: {  	_ = 	snop  }
0x6: {  	_ = 	snop  }
0x7: {  	_ = 	snop  }
__scs_overlays_trampoline_lowered:
0x8: {  	[smem:$0x3FA4] =	sst s0  }
0x9: {  	[smem:$0x3FA5] =	sst s1  }
0xa: {  	[smem:$0x3FA6] =	sst s2  }
0xb: {  	[smem:$0x3FA7] =	sst s3  }
0xc: {  	[smem:$0x3FA8] =	sst s4  }
0xd: {  	[smem:$0x3FA9] =	sst s5  }
0xe: {  	[smem:$0x3FAA] =	sst s6  }
0xf: {  	[smem:$0x3FAB] =	sst s7  }
0x10: {  	[smem:$0x3FAC] =	sst s8  }
0x11: {  	[smem:$0x3FAD] =	sst s9;
	s0 =	simm.s32 @!p0 $0x0  }
0x12: {  	s1 =	sld [smem:$0x3F93];
	s0 =	simm.s32 @p0 $0x1  }
0x13: {  	[smem:$0x3FAE] =	sst s0;
	s0 =	simm.s32 @!p1 $0x0  }
0x14: {  	s2 =	sld [smem:$0x3F92];
	s0 =	simm.s32 @p1 $0x1  }
0x15: {  	[smem:$0x3FAF] =	sst s0;
	s0 =	simm.s32 @!p2 $0x0  }
0x16: {  	s3 =	sld [smem:$0x3FDB];
	s0 =	simm.s32 @p2 $0x1  }
0x17: {  	s4 =	simm.s32 $0x1BF5;
	[smem:$0x3FB1] =	sst s0  }
0x18: {  	s0 =	sld [smem:$0x3F94];
	_ =	swait.ge [sflag:s4], $0x0  }
0x19: {  	s7 =	sld [smem:$0x3F95]  }
0x1a: {  	s8 =	sadd.s32 $0xFFFFE003, lr  }
0x1b: {  	s9 =	sadd.s32 $0xFFFFFEF7, lr;
	s5 =	simm.s32 $0xFFFFFFFF;
	p2 =	slt.u32 s8, $0xFFFFF086  }
0x1c: {  	p1 =	slt.u32 s9, $0xF7A;
	s5 =	simm.s32 @!p2 $0x0  }
0x1d: {  	s5 =	simm.s32 @p1 $0x1;
	p0 =	seq.s32 s7, s2  }
0x1e: {  	s7 =	smul.u32 @!p0 $0xF7A, s2;
	p2 =	seq.s32 @!p0 s5, $0x0  }
0x1f: {  	s9 =	smul.u32 $0xF7A, s1;
	s8 =	simm.s32 @!p0 $0x1BF5;
	p2 =	por !p2, p0  }
0x20: {  	[sflag:s8] =	ssyncset.s32 @!p0 $0xFFFFF086;
	s6 =	sadd.s32 @!p0 s3, s7;
	s7 =	simm.s32 @!p0 $0x108  }
0x21: {  	s3 =	sadd.s32 s3, s9;
	s6 =	sadd.s32 @!p0 $0x88, s6;
	s7 =	simm.s32 @p2 $0x1082  }
0x22: {  	[simem:s7], [sflag:s8] =	dma.local @!p0 [hbm:s6], $0xF7A  }
0x23: {  	s9 =	sor.u32 $0xD0000000, s2;
	s6 =	simm.s32 $0x108;
	_ =	swait.ge @!p0 [sflag:s8], $0x0  }
0x24: {  	s3 =	sadd.s32 $0x88, s3;
	s6 =	simm.s32 @!p1 $0x1082;
	[sflag:s4] =	ssyncset.s32 $0xFFFFF086  }
0x25: {  	[simem:s6], [sflag:s4] =	dma.local [hbm:s3], $0xF7A  }
0x26: {  	[smem:$0x3F95] =	sst s1;
	(tag) =	ssettag s2;
	_ =	strace s9  }
0x27: {  	s1 =	sld [smem:$0x3FA5]  }
0x28: {  	s2 =	sld [smem:$0x3FA6]  }
0x29: {  	s4 =	sld [smem:$0x3FA8]  }
0x2a: {  	p0 =	seq.s32 s5, $0x0;
	s5 =	sld [smem:$0x3FA9]  }
0x2b: {  	s6 =	sld [smem:$0x3FAA]  }
0x2c: {  	s7 =	sld [smem:$0x3FAB]  }
0x2d: {  	s3 =	simm.s32 $0x108;
	s8 =	sld [smem:$0x3FAC]  }
0x2e: {  	s3 =	simm.s32 @!p0 $0x1082;
	s9 =	sld [smem:$0x3FAD]  }
0x2f: {  	lr =	sadd.s32 s0, s3;
	s0 =	sld [smem:$0x3FA4]  }
0x30: {  	s3 =	sld [smem:$0x3FA7]  }
0x31: {  	[smem:$0x3FB0] =	sst s10  }
0x32: {  	s10 =	sld [smem:$0x3FAE];
	_ =	sdelay $0x3  }
0x33: {  	p0 =	seq.s32 s10, $0x1;
	s10 =	sld [smem:$0x3FB0];
	_ =	sdelay $0x3  }
0x34: {  	[smem:$0x3FB0] =	sst s10  }
0x35: {  	s10 =	sld [smem:$0x3FAF];
	_ =	sdelay $0x3  }
0x36: {  	p1 =	seq.s32 s10, $0x1;
	s10 =	sld [smem:$0x3FB0];
	_ =	sdelay $0x3  }
0x37: {  	[smem:$0x3FB0] =	sst s10  }
0x38: {  	s10 =	sld [smem:$0x3FB1]  }
0x39: {  	_ = 	snop;
	(pc) =	sbr.ind lr, $3  }
0x3a: {  	_ = 	snop  }
0x3b: {  	_ = 	snop  }
0x3c: {  	p2 =	seq.s32 s10, $0x1;
	s10 =	sld [smem:$0x3FB0]  }
0x3d: {  	_ =	shalt  }
0x3e: {  	_ =	shalt  }
0x3f: {  	_ =	shalt  }
0x40: {  	_ =	shalt  }
0x41: {  	_ =	shalt  }
0x42: {  	_ =	shalt  }
0x43: {  	_ =	shalt  }
0x44: {  	_ =	shalt  }
0x45: {  	_ =	shalt  }
0x46: {  	_ =	shalt  }
0x47: {  	_ =	shalt  }
0x48: {  	_ =	shalt  }
0x49: {  	_ =	shalt  }
0x4a: {  	_ =	shalt  }
0x4b: {  	_ =	shalt  }
0x4c: {  	_ =	shalt  }
0x4d: {  	_ =	shalt  }
0x4e: {  	_ =	shalt  }
0x4f: {  	_ =	shalt  }
0x50: {  	_ =	shalt  }
0x51: {  	_ =	shalt  }
0x52: {  	_ =	shalt  }
0x53: {  	_ =	shalt  }
0x54: {  	_ =	shalt  }
0x55: {  	_ =	shalt  }
0x56: {  	_ =	shalt  }
0x57: {  	_ =	shalt  }
0x58: {  	_ =	shalt  }
0x59: {  	_ =	shalt  }
0x5a: {  	_ =	shalt  }
0x5b: {  	_ =	shalt  }
0x5c: {  	_ =	shalt  }
0x5d: {  	_ =	shalt  }
0x5e: {  	_ =	shalt  }
0x5f: {  	_ =	shalt  }
0x60: {  	_ =	shalt  }
0x61: {  	_ =	shalt  }
0x62: {  	_ =	shalt  }
0x63: {  	_ =	shalt  }
0x64: {  	_ =	shalt  }
0x65: {  	_ =	shalt  }
0x66: {  	_ =	shalt  }
0x67: {  	_ =	shalt  }
0x68: {  	_ =	shalt  }
0x69: {  	_ =	shalt  }
0x6a: {  	_ =	shalt  }
0x6b: {  	_ =	shalt  }
0x6c: {  	_ =	shalt  }
0x6d: {  	_ =	shalt  }
0x6e: {  	_ =	shalt  }
0x6f: {  	_ =	shalt  }
0x70: {  	_ =	shalt  }
0x71: {  	_ =	shalt  }
0x72: {  	_ =	shalt  }
0x73: {  	_ =	shalt  }
0x74: {  	_ =	shalt  }
0x75: {  	_ =	shalt  }
0x76: {  	_ =	shalt  }
0x77: {  	_ =	shalt  }
0x78: {  	_ =	shalt  }
0x79: {  	_ =	shalt  }
0x7a: {  	_ =	shalt  }
0x7b: {  	_ =	shalt  }
0x7c: {  	_ =	shalt  }
0x7d: {  	_ =	shalt  }
0x7e: {  	_ =	shalt  }
0x7f: {  	_ =	shalt  }
0x80: {  	_ =	shalt  }
0x81: {  	_ =	shalt  }
0x82: {  	_ =	shalt  }
0x83: {  	_ =	shalt  }
0x84: {  	_ =	shalt  }
0x85: {  	_ =	shalt  }
0x86: {  	_ =	shalt  }
0x87: {  	_ =	shalt  }
.Lfunc_end0:
.L_simem_size_0:
called_computation_lowered:
.L_overlay_start_0:
0x88: {  	s2 =	sld [smem:$0x3FD9]  }
0x89: {  	s3 =	sld [smem:$0x3FFE];
	_ =	sdelay $0x1  }
0x8a: {  	s1 =	srdreg.scid  }
0x8b: {  	s0 =	sand.u32 $0x1, s1  }
0x8c: {  	s17 =	sshll.u32 s0, $0xA;
	s2 =	sadd.s32 s3, s2  }
0x8d: {  	s2 =	sadd.s32 s2, s17  }
0x8e: {  	[smem:$0x3FBC] =	sst s2  }
0x8f: {  	_ = 	snop  }
0x90: {  	s2 =	sld [smem:$0x3FBF];
	(tm) =	ssettm $0x1  }
0x91: {  	s18 =	sld [smem:$0x3FFB];
	_ =	sdelay $0x3  }
0x92: {  	_ =	strace s18  }
0x93: {  	s3 =	sld [smem:$0x3FFC];
	_ =	sdelay $0x3  }
0x94: {  	_ =	strace s3  }
0x95: {  	s3 =	sld [smem:$0x3FFD];
	_ =	sdelay $0x3  }
0x96: {  	_ =	strace s3  }
0x97: {  	_ =	strace $0x8FFFFFFF  }
0x98: {  	s19 =	sld [smem:$0x3FDB];
	_ =	sdelay $0x1  }
0x99: {  	s4 =	simm.s32 $_scs_section_size  }
0x9a: {  	s5 =	simm.s32 $_size__tile_overlayer_lowered;
	s6 =	simm.s32 $_tile_overlayer_lowered  }
0x9b: {  	s22 =	simm.s32 $0x1BFF;
	s21 =	sshll.u32 s6, $0x1;
	s3 =	sadd.s32 s4, s19  }
0x9c: {  	s7 =	simm.s32 $0x0;
	s20 =	sshll.u32 s5, $0x1;
	s5 =	sadd.s32 s21, s3  }
0x9d: {  	[timem:s7], [sflag:s22] =	dma.local [hbm:s5], s20  }
0x9e: {  	_ =	swait.ge [sflag:s22], s20  }
0x9f: {  	s4 =	ssub.s32 $0x0, s20;
	[sflag:s22] =	ssyncset.done $0x0  }
0xa0: {  	[sflag:s22] =	ssyncadd.s32 s4;
	_ =	sdelay $0x1  }
0xa1: {  	s23 =	simm.s32 $0x1B8B  }
0xa2: {  	_ =	swait.ge [sflag:s23], $0x1  }
0xa3: {  	[sflag:s23] =	ssyncset.done $0x0  }
0xa4: {  	s25 =	simm.s32 $0x1B8E;
	s24 =	sld [smem:$0x3FFE];
	[sflag:s23] =	ssyncadd.s32 $0xFFFFFFFF  }
0xa5: {  	s26 =	simm.s32 $execute0_lowered;
	[smem:$0x3FD2] =	sst s25  }
0xa6: {  	s5 =	sshll.u32 s26, $0x1;
	_ =	strace $0x80000046;
	[dreg:$0x1] =	wrdreg $0xFFFFFFFF  }
0xa7: {  	s28 =	simm.s32 $_size_execute0_lowered;
	s3 =	sadd.s32 s3, s5;
	[dreg:$0x0] =	wrdreg $0x0  }
0xa8: {  	s5 =	sshll.u32 s28, $0x1;
	[dreg:$0x2] =	wrdreg s3  }
0xa9: {  	[dreg:$0x3] =	wrdreg s5  }
0xaa: {  	[dreg:$0x4] =	wrdreg $0xC0  }
0xab: {  	_ =	task [dreg:s7], $0x5FFFF  }
0xac: {  	[dreg:$0x1] =	wrdreg $0xFFFFFFFF  }
0xad: {  	[dreg:$0x0] =	wrdreg $0x60  }
0xae: {  	[dreg:$0x2] =	wrdreg s24  }
0xaf: {  	[dreg:$0x3] =	wrdreg s2  }
0xb0: {  	[dreg:$0x4] =	wrdreg $0x9  }
0xb1: {  	_ =	task.clear_ibuf [dreg:s7], $0x5FFFF;
	_ =	strace $0x90000046  }
0xb2: {  	s29 =	simm.s32 $0x9;
	_ =	strace $0x80000048  }
0xb3: {  	_ =	swait.ge [sflag:s29], $0x1  }
0xb4: {  	[sflag:s29] =	ssyncadd.s32 $0xFFFFFFFF  }
0xb5: {  	_ =	strace $0x90000048  }
0xb6: {  	_ =	sfence  }
0xb7: {  	s30 =	sld [smem:$0x0];
	_ =	sdelay $0x2  }
0xb8: {  	s31 =	sshll.u32 s1, $0xD;
	s1 =	sshrl.u32 s1, $0x2  }
0xb9: {  	s3 =	sand.u32 $0x4000, s31;
	s1 =	sadd.s32 s1, s30  }
0xba: {  	s0 =	sor.u32 s3, s0;
	s1 =	sshll.u32 s1, $0x11  }
0xbb: {  	s0 =	sor.u32 s1, s0  }
0xbc: {  	s0 =	sadd.s32 $0x8F2B, s0  }
0xbd: {  	[sflag:s0] =	ssyncadd.remote.s32 $0x1  }
0xbe: {  	_ =	sfence.sel $0xFFFF  }
0xbf: {  	[dreg:$0x0] =	wrdreg $0xFFFFFFFF;
	(pc) =	sbr.abs _section_cstart, $3  }
0xc0: {  	[dreg:$0x1] =	wrdreg $0xFFFFFFFF  }
0xc1: {  	_ =	task.clear_ibuf [dreg:s7], $0x2FFFF;
	_ =	strace $0x9FFFFFFF  }
0xc2: {  	(tm) =	ssettm $0x7FFFFFFF  }
0xc3: {  	_ =	shalt  }
tec
execute0_lowered:
.L_overlay_start_1:
0x0: {  	(tag) =	ssettag $0x1  }
0x1: {  	s0 =	rddreg [dreg:$0x0]  }
0x2: {  	s1 =	rddreg [dreg:$0x1];
	s2 =	simm.s32 $0x0;
	s3 =	srdreg.scid  }
0x3: {  	s13 =	simm.s32 $0x480;
	s16 =	simm.s32 $0x1480;
	s17 =	simm.s32 $0x1C80  }
0x4: {  	s14 =	simm.s32 $0x2480;
	s30 =	simm.s32 $0x80;
	s21 =	simm.s32 $0x2C80  }
0x5: {  	s15 =	simm.s32 $0x3480;
	s18 =	simm.s32 $0x4480;
	s22 =	simm.s32 $0x4C80  }
0x6: {  	s19 =	simm.s32 $0x5480;
	s20 =	simm.s32 $0x5C80;
	p0 =	por $0x0, $0x0  }
0x7: {  	s28 =	simm.s32 $0x7480;
	s29 =	simm.s32 $0x7C80;
	[dreg:$0x3] =	wrdreg s1  }
0x8: {  	v0 =	vimm.s32 $0xFEDCBA98;
	[smem:$0x7FF] =	sst s2;
	s1 =	stileid.u32;
	s3 =	sand.u32 $0x1, s3  }
0x9: {  	v1 =	vimm.s32 $0x76543210;
	s6 =	sadd.s32 $0x1E00, s0;
	_ =	strace $0x80000047;
	s4 =	sshll.u32 s1, $0x1  }
0xa: {  	v3 =	vlaneseq.u32;
	v2 =	vimm.s32 $0xBA98FEDC;
	v0 =	vunpack.c.l.s4.s8 v0;
	s5 =	sshll.u32 s1, $0x8;
	s7 =	sshrl.u32 s1, $0x3;
	s4 =	sand.u32 $0xE, s4  }
0xb: {  	v6 =	vimm.s32 $0x32107654;
	v9 =	vimm.s32 $0xEFCDAB89;
	v1 =	vunpack.c.l.s4.s8 v1;
	s5 =	sand.u32 $0x400, s5;
	s9 =	sshll.u32 s7, $0x4;
	s24 =	sshll.u32 s7, $0x5  }
0xc: {  	v10 =	vimm.s32 $0x67452301;
	v6 =	vunpack.c.l.s4.s8 v6;
	s7 =	sadd.s32 $0x1F00, s0;
	v0 =	vunpack.c.0.s8.s32 v0;
	s4 =	sor.u32 s3, s4;
	s3 =	ssub.s32 $0x2, s3  }
0xd: {  	v2 =	vunpack.c.l.s4.s8 v2;
	v9 =	vunpack.c.l.s4.s8 v9;
	v1 =	vunpack.c.0.s8.s32 v1;
	s5 =	sadd.s32 s5, s0;
	s10 =	sadd.s32 s9, s0;
	s23 =	sshrl.u32 s3, $0x1  }
0xe: {  	v7 =	vunpack.c.0.s8.s32 v6;
	v6 =	vimm.s32 $0x54761032;
	s9 =	sadd.s32 $0x2100, s0;
	s25 =	sshll.u32 s4, $0x5;
	v0 =	vand.u32 $0xF, v0;
	s12 =	ssub.s32 s3, s23  }
0xf: {  	s26 =	sor.u32 $0x10, s24;
	s3 =	sadd.s32 s25, s10;
	v0 =	vcombine.low v0, v1;
	v1 =	vunpack.c.0.s8.s32 v2;
	v2 =	vimm.s32 $0xDCFE98BA;
	s25 =	smax.u32 s12, $0x1  }
0x10: {  	v5 =	vor.u32 s24, v3;
	s24 =	simm.s32 $0x400;
	v8 =	vunpack.c.l.s4.s8 v6;
	s8 =	sshll.u32 s4, $0x4;
	v2 =	vunpack.c.l.s4.s8 v2;
	p1 =	sne.s32 s25, $0x1  }
.Ltmp0:
0x11: {  	v10 =	vunpack.c.l.s4.s8 v10;
	v4 =	vmov s4;
	s4 =	simm.s32 $0x2;
	v6 =	vor.u32 s26, v3;
	s26 =	simm.s32 $0x6C80;
	(pc) =	sbr.rel @!p1 .LBB2_3-.Ltmp0, $4  }
0x12: {  	s8 =	sand.u32 $0x70, s8;
	s23 =	simm.s32 $0x3C80;
	s10 =	simm.s32 $0x1;
	v1 =	vcombine.low v7, v1;
	v7 =	vunpack.c.0.s8.s32 v8;
	v2 =	vunpack.c.0.s8.s32 v2  }
0x13: {  	vm0 =	vmmov $0xffff;
	v11 =	vunpack.c.0.s8.s32 v9;
	v10 =	vunpack.c.0.s8.s32 v10;
	s5 =	sadd.s32 s8, s5;
	s8 =	sadd.s32 $0x2000, s0;
	s3 =	sadd.s32 $0x11E00, s3  }
0x14: {  	v9 =	vand.u32 $0x7, v3;
	s12 =	simm.s32 $0xC80;
	s0 =	rddreg [dreg:$0x3];
	s11 =	sadd.s32 $0x1600, s5;
	v8 =	vshrl.u32 v3, $0x3;
	v2 =	vcombine.low v7, v2  }
0x15: {  	s31 =	sadd.s32 $0xFFFFFFFF, s25;
	s25 =	simm.s32 $0x6480;
	s5 =	simm.s32 $0x8480;
	v7 =	vmul.u32 $0x8, v8;
	v8 =	vor.u32 $0x8, v3;
	v3 =	vcombine.low v10, v11  }
0x16: {  	[tilespmem:s2], [sflag:$0x2] =	stream.linear.gather [hbm4b:s0+s2], $0x80, $0x38;
	[tilespmem:$0x8500] =	vst v63  }
0x17: {  	_ =	swait.ge [sflag:s4], $0x80  }
0x18: {  	[sflag:s4] =	ssyncset.done $0x0  }
0x19: {  	[sflag:s4] =	ssyncadd.s32 $0xFFFFFF80  }
0x1a: {  	[tilespmem:s30], [sflag:$0x2] =	stream.strided.gather [hbm4b:s11+s30], $0x400, s24, s30, $0x38;
	[tilespmem:$0x8500] =	vst v63  }
0x1b: {  	_ =	swait.ge [sflag:s4], $0x400  }
0x1c: {  	[sflag:s4] =	ssyncset.done $0x0  }
0x1d: {  	[sflag:s4] =	ssyncadd.s32 $0xFFFFFC00  }
0x1e: {  	v10 =	vld [tilespmem:$0x0];
	_ =	sdelay $0x4  }
0x1f: {  	v10 =	vperm.xlane v10, v4;
	_ =	sdelay $0x1  }
0x20: {  	v11 =	vshll.u32 v10, $0x6  }
0x21: {  	v12 =	vor.u32 v5, v11  }
0x22: {  	v12 =	vshll.u32 v12, $0x3  }
0x23: {  	v12 =	vand.u32 $0xFFFFFF40, v12  }
0x24: {  	v12 =	vor.u32 v9, v12  }
0x25: {  	v13 =	vperm.xlane v12, v9;
	_ =	sdelay $0x1  }
0x26: {  	v13 =	vadd.s32 v7, v13;
	_ =	sdelay $0x4  }
0x27: {  	[tilespmem:s13], [sflag:$0x1] =	stream.indirect_vreg.gather [hbm4b:s6+s2], $0x80, v13, vm0, $0xb8;
	[tilespmem:$0x8500] =	vst v63  }
0x28: {  	v12 =	vperm.xlane v12, v8  }
0x29: {  	[tilespmem:s12], [sflag:$0x1] =	stream.indirect_vreg.gather [hbm4b:s7+s2], $0x80, v13, vm0, $0xb8;
	[tilespmem:$0x8500] =	vst v63  }
0x2a: {  	v12 =	vadd.s32 v7, v12  }
0x2b: {  	[tilespmem:s16], [sflag:$0x1] =	stream.indirect_vreg.gather [hbm4b:s8+s2], $0x80, v13, vm0, $0xb8;
	[tilespmem:$0x8500] =	vst v63  }
0x2c: {  	_ = 	snop  }
0x2d: {  	[tilespmem:s17], [sflag:$0x1] =	stream.indirect_vreg.gather [hbm4b:s9+s2], $0x80, v13, vm0, $0xb8;
	[tilespmem:$0x8500] =	vst v63  }
0x2e: {  	v11 =	vor.u32 v6, v11  }
0x2f: {  	v11 =	vshll.u32 v11, $0x3;
	[tilespmem:s14], [sflag:$0x1] =	stream.indirect_vreg.gather [hbm4b:s6+s2], $0x80, v12, vm0, $0xb8;
	[tilespmem:$0x8500] =	vst v63  }
0x30: {  	v11 =	vand.u32 $0xFFFFFFC0, v11  }
0x31: {  	v11 =	vor.u32 v9, v11;
	[tilespmem:s21], [sflag:$0x1] =	stream.indirect_vreg.gather [hbm4b:s7+s2], $0x80, v12, vm0, $0xb8;
	[tilespmem:$0x8500] =	vst v63  }
0x32: {  	v48 =	vperm.xlane v11, v9  }
0x33: {  	[tilespmem:s15], [sflag:$0x1] =	stream.indirect_vreg.gather [hbm4b:s8+s2], $0x80, v12, vm0, $0xb8;
	[tilespmem:$0x8500] =	vst v63  }
0x34: {  	v13 =	vadd.s32 v7, v48  }
0x35: {  	[tilespmem:s23], [sflag:$0x1] =	stream.indirect_vreg.gather [hbm4b:s9+s2], $0x80, v12, vm0, $0xb8;
	[tilespmem:$0x8500] =	vst v63  }
0x36: {  	_ =	swait.ge [sflag:s10], $0x4000  }
0x37: {  	[sflag:s10] =	ssyncset.done $0x0  }
0x38: {  	[sflag:s10] =	ssyncadd.s32 $0xFFFFC000  }
0x39: {  	[tilespmem:s18], [sflag:$0x1] =	stream.indirect_vreg.gather [hbm4b:s6+s2], $0x80, v13, vm0, $0xb8;
	[tilespmem:$0x8500] =	vst v63  }
0x3a: {  	v11 =	vperm.xlane v11, v8  }
0x3b: {  	[tilespmem:s22], [sflag:$0x1] =	stream.indirect_vreg.gather [hbm4b:s7+s2], $0x80, v13, vm0, $0xb8;
	[tilespmem:$0x8500] =	vst v63  }
0x3c: {  	v11 =	vadd.s32 v7, v11  }
0x3d: {  	[tilespmem:s19], [sflag:$0x1] =	stream.indirect_vreg.gather [hbm4b:s8+s2], $0x80, v13, vm0, $0xb8;
	[tilespmem:$0x8500] =	vst v63  }
0x3e: {  	_ = 	snop  }
0x3f: {  	[tilespmem:s20], [sflag:$0x1] =	stream.indirect_vreg.gather [hbm4b:s9+s2], $0x80, v13, vm0, $0xb8;
	[tilespmem:$0x8500] =	vst v63  }
0x40: {  	_ = 	snop  }
0x41: {  	[tilespmem:s25], [sflag:$0x1] =	stream.indirect_vreg.gather [hbm4b:s6+s2], $0x80, v11, vm0, $0xb8;
	[tilespmem:$0x8500] =	vst v63  }
0x42: {  	_ = 	snop  }
0x43: {  	[tilespmem:s26], [sflag:$0x1] =	stream.indirect_vreg.gather [hbm4b:s7+s2], $0x80, v11, vm0, $0xb8;
	[tilespmem:$0x8500] =	vst v63  }
0x44: {  	_ = 	snop  }
0x45: {  	[tilespmem:s28], [sflag:$0x1] =	stream.indirect_vreg.gather [hbm4b:s8+s2], $0x80, v11, vm0, $0xb8;
	[tilespmem:$0x8500] =	vst v63  }
0x46: {  	_ = 	snop  }
0x47: {  	[tilespmem:s29], [sflag:$0x1] =	stream.indirect_vreg.gather [hbm4b:s9+s2], $0x80, v11, vm0, $0xb8;
	[tilespmem:$0x8500] =	vst v63  }
0x48: {  	_ =	swait.ge [sflag:s10], $0x4000  }
0x49: {  	[sflag:s10] =	ssyncset.done $0x0  }
0x4a: {  	[sflag:s10] =	ssyncadd.s32 $0xFFFFC000  }
0x4b: {  	v11 =	vld [tilespmem:$0x80];
	_ =	sdelay $0x1  }
0x4c: {  	v49 =	vld [tilespmem:$0x90];
	_ =	sdelay $0x1  }
0x4d: {  	v50 =	vld [tilespmem:$0xA0]  }
0x4e: {  	v11 =	vadd.f32 $0.0e+00, v11  }
0x4f: {  	v14 =	vld [tilespmem:$0xB0]  }
0x50: {  	v11 =	vadd.f32 v49, v11  }
0x51: {  	v51 =	vld [tilespmem:$0xC0]  }
0x52: {  	v11 =	vadd.f32 v50, v11  }
0x53: {  	v52 =	vld [tilespmem:$0xD0]  }
0x54: {  	v11 =	vadd.f32 v14, v11  }
0x55: {  	v53 =	vld [tilespmem:$0xE0]  }
0x56: {  	v11 =	vadd.f32 v51, v11  }
0x57: {  	v54 =	vld [tilespmem:$0xF0]  }
0x58: {  	v11 =	vadd.f32 v52, v11  }
0x59: {  	v55 =	vld [tilespmem:$0x100]  }
0x5a: {  	v11 =	vadd.f32 v53, v11  }
0x5b: {  	v56 =	vld [tilespmem:$0x110]  }
0x5c: {  	v11 =	vadd.f32 v54, v11  }
0x5d: {  	v57 =	vld [tilespmem:$0x120]  }
0x5e: {  	v11 =	vadd.f32 v55, v11  }
0x5f: {  	v58 =	vld [tilespmem:$0x130]  }
0x60: {  	v11 =	vadd.f32 v56, v11  }
0x61: {  	v59 =	vld [tilespmem:$0x140]  }
0x62: {  	v11 =	vadd.f32 v57, v11  }
0x63: {  	v60 =	vld [tilespmem:$0x150]  }
0x64: {  	v11 =	vadd.f32 v58, v11  }
0x65: {  	v61 =	vld [tilespmem:$0x160]  }
0x66: {  	v11 =	vadd.f32 v59, v11  }
0x67: {  	v62 =	vld [tilespmem:$0x170]  }
0x68: {  	v11 =	vadd.f32 v60, v11  }
0x69: {  	v63 =	vld [tilespmem:$0x180]  }
0x6a: {  	v11 =	vadd.f32 v61, v11  }
0x6b: {  	v16 =	vld [tilespmem:$0x190]  }
0x6c: {  	v11 =	vadd.f32 v62, v11  }
0x6d: {  	v17 =	vld [tilespmem:$0x1A0]  }
0x6e: {  	v11 =	vadd.f32 v63, v11  }
0x6f: {  	v18 =	vld [tilespmem:$0x1B0]  }
0x70: {  	v11 =	vadd.f32 v16, v11  }
0x71: {  	v19 =	vld [tilespmem:$0x1C0]  }
0x72: {  	v11 =	vadd.f32 v17, v11  }
0x73: {  	v20 =	vld [tilespmem:$0x1D0]  }
0x74: {  	v11 =	vadd.f32 v18, v11  }
0x75: {  	v21 =	vld [tilespmem:$0x1E0]  }
0x76: {  	v11 =	vadd.f32 v19, v11  }
0x77: {  	v22 =	vld [tilespmem:$0x1F0]  }
0x78: {  	v11 =	vadd.f32 v20, v11  }
0x79: {  	v23 =	vld [tilespmem:$0x200]  }
0x7a: {  	v11 =	vadd.f32 v21, v11  }
0x7b: {  	v24 =	vld [tilespmem:$0x210]  }
0x7c: {  	v11 =	vadd.f32 v22, v11  }
0x7d: {  	v25 =	vld [tilespmem:$0x220]  }
0x7e: {  	v11 =	vadd.f32 v23, v11  }
0x7f: {  	v26 =	vld [tilespmem:$0x230]  }
0x80: {  	v11 =	vadd.f32 v24, v11  }
0x81: {  	v27 =	vld [tilespmem:$0x240]  }
0x82: {  	v11 =	vadd.f32 v25, v11  }
0x83: {  	v28 =	vld [tilespmem:$0x250]  }
0x84: {  	v11 =	vadd.f32 v26, v11  }
0x85: {  	v29 =	vld [tilespmem:$0x260]  }
0x86: {  	v11 =	vadd.f32 v27, v11  }
0x87: {  	v30 =	vld [tilespmem:$0x270]  }
0x88: {  	v11 =	vadd.f32 v28, v11  }
0x89: {  	v31 =	vld [tilespmem:$0x280]  }
0x8a: {  	v11 =	vadd.f32 v29, v11  }
0x8b: {  	v32 =	vld [tilespmem:$0x290]  }
0x8c: {  	v11 =	vadd.f32 v30, v11  }
0x8d: {  	v33 =	vld [tilespmem:$0x2A0]  }
0x8e: {  	v11 =	vadd.f32 v31, v11  }
0x8f: {  	v34 =	vld [tilespmem:$0x2B0]  }
0x90: {  	v11 =	vadd.f32 v32, v11  }
0x91: {  	v35 =	vld [tilespmem:$0x2C0]  }
0x92: {  	v11 =	vadd.f32 v33, v11  }
0x93: {  	v36 =	vld [tilespmem:$0x2D0]  }
0x94: {  	v11 =	vadd.f32 v34, v11  }
0x95: {  	v37 =	vld [tilespmem:$0x2E0]  }
0x96: {  	v11 =	vadd.f32 v35, v11  }
0x97: {  	v38 =	vld [tilespmem:$0x2F0]  }
0x98: {  	v11 =	vadd.f32 v36, v11  }
0x99: {  	v39 =	vld [tilespmem:$0x300]  }
0x9a: {  	v11 =	vadd.f32 v37, v11  }
0x9b: {  	v40 =	vld [tilespmem:$0x310]  }
0x9c: {  	v11 =	vadd.f32 v38, v11  }
0x9d: {  	v41 =	vld [tilespmem:$0x320]  }
0x9e: {  	v11 =	vadd.f32 v39, v11  }
0x9f: {  	v42 =	vld [tilespmem:$0x330]  }
0xa0: {  	v11 =	vadd.f32 v40, v11  }
0xa1: {  	v43 =	vld [tilespmem:$0x340]  }
0xa2: {  	v11 =	vadd.f32 v41, v11  }
0xa3: {  	v44 =	vld [tilespmem:$0x350]  }
0xa4: {  	v11 =	vadd.f32 v42, v11  }
0xa5: {  	v45 =	vld [tilespmem:$0x360]  }
0xa6: {  	v11 =	vadd.f32 v43, v11  }
0xa7: {  	v46 =	vld [tilespmem:$0x370]  }
0xa8: {  	v11 =	vadd.f32 v44, v11  }
0xa9: {  	v47 =	vld [tilespmem:$0x380]  }
0xaa: {  	v11 =	vadd.f32 v45, v11  }
0xab: {  	v48 =	vld [tilespmem:$0x390]  }
0xac: {  	v11 =	vadd.f32 v46, v11  }
0xad: {  	v49 =	vld [tilespmem:$0x3A0]  }
0xae: {  	v11 =	vadd.f32 v47, v11  }
0xaf: {  	v50 =	vld [tilespmem:$0x3B0]  }
0xb0: {  	v11 =	vadd.f32 v48, v11  }
0xb1: {  	v51 =	vld [tilespmem:$0x3C0]  }
0xb2: {  	v11 =	vadd.f32 v49, v11  }
0xb3: {  	v52 =	vld [tilespmem:$0x3D0]  }
0xb4: {  	v11 =	vadd.f32 v50, v11  }
0xb5: {  	v53 =	vld [tilespmem:$0x3E0]  }
0xb6: {  	v11 =	vadd.f32 v51, v11  }
0xb7: {  	v54 =	vld [tilespmem:$0x3F0]  }
0xb8: {  	v11 =	vadd.f32 v52, v11  }
0xb9: {  	v55 =	vld [tilespmem:$0x400]  }
0xba: {  	v11 =	vadd.f32 v53, v11  }
0xbb: {  	v56 =	vld [tilespmem:$0x410]  }
0xbc: {  	v11 =	vadd.f32 v54, v11  }
0xbd: {  	v57 =	vld [tilespmem:$0x420]  }
0xbe: {  	v11 =	vadd.f32 v55, v11  }
0xbf: {  	v58 =	vld [tilespmem:$0x430]  }
0xc0: {  	v11 =	vadd.f32 v56, v11  }
0xc1: {  	v59 =	vld [tilespmem:$0x440]  }
0xc2: {  	v11 =	vadd.f32 v57, v11  }
0xc3: {  	v60 =	vld [tilespmem:$0x450]  }
0xc4: {  	v11 =	vadd.f32 v58, v11  }
0xc5: {  	v61 =	vld [tilespmem:$0x460]  }
0xc6: {  	v11 =	vadd.f32 v59, v11  }
0xc7: {  	v62 =	vld [tilespmem:$0x470]  }
0xc8: {  	v11 =	vadd.f32 v60, v11;
	_ =	sdelay $0x1  }
0xc9: {  	v11 =	vadd.f32 v61, v11;
	_ =	sdelay $0x1  }
0xca: {  	v11 =	vadd.f32 v62, v11;
	_ =	sdelay $0x1  }
0xcb: {  	v63 =	vperm.xlane v11, v0;
	_ =	sdelay $0x1  }
0xcc: {  	v11 =	vadd.f32 v63, v11;
	_ =	sdelay $0x1  }
0xcd: {  	v12 =	vperm.xlane v11, v1;
	_ =	sdelay $0x1  }
0xce: {  	v11 =	vadd.f32 v12, v11;
	_ =	sdelay $0x1  }
0xcf: {  	v12 =	vperm.xlane v11, v2;
	_ =	sdelay $0x1  }
0xd0: {  	v11 =	vadd.f32 v12, v11;
	_ =	sdelay $0x1  }
0xd1: {  	v12 =	vperm.xlane v11, v3;
	_ =	sdelay $0x1  }
0xd2: {  	v11 =	vadd.f32 v12, v11;
	_ =	sdelay $0x1  }
0xd3: {  	v11 =	vmax.f32 v11, $1.000000000e+00  }
0xd4: {  	(erf) = vrcp.f32 v11;
	_ =	sdelay $0x4  }
0xd5: {  	v10 =	vcvt.s32.f32 v10;
	_ =	sdelay $0x2  }
0xd6: {  	p1 =	sne.s32 s31, $0x1  }
.Ltmp1:
0xd7: {  	[tilespmem:$0x8490] =	vst v10;
	v10 =	vpop (erf);
	(pc) =	sbr.rel @!p1 .LBB2_3-.Ltmp1, $4  }
0xd8: {  	[tilespmem:$0x8480] =	vst v10  }
0xd9: {  	[hbm4b:s3+s2] =	stream.linear.scatter [tilespmem:s5], [sflag:$0x2], $0x80, $0x38;
	[tilespmem:$0x8500] =	vst v63  }
0xda: {  	s31 =	sadd.s32 $0xFFFFFFFF, s31;
	_ =	swait.ge [sflag:s4], $0x80  }
0xdb: {  	p0 =	por $0x1, $0x1;
	s0 =	rddreg [dreg:$0x3];
	[sflag:s4] =	ssyncset.done $0x0  }
.LBB2_2:
0xdc: {  	[sflag:s4] =	ssyncadd.s32 $0xFFFFFF80  }
0xdd: {  	[tilespmem:s2], [sflag:$0x2] =	stream.linear.gather [hbm4b:s0+s2], $0x80, $0x38;
	[tilespmem:$0x8500] =	vst v63  }
0xde: {  	_ =	swait.ge [sflag:s4], $0x80  }
0xdf: {  	[sflag:s4] =	ssyncset.done $0x0  }
0xe0: {  	[sflag:s4] =	ssyncadd.s32 $0xFFFFFF80  }
0xe1: {  	[tilespmem:s30], [sflag:$0x2] =	stream.strided.gather [hbm4b:s11+s30], $0x400, s24, s30, $0x38;
	[tilespmem:$0x8500] =	vst v63  }
0xe2: {  	_ =	swait.ge [sflag:s4], $0x400  }
0xe3: {  	[sflag:s4] =	ssyncset.done $0x0  }
0xe4: {  	[sflag:s4] =	ssyncadd.s32 $0xFFFFFC00  }
0xe5: {  	v10 =	vld [tilespmem:$0x0];
	_ =	sdelay $0x4  }
0xe6: {  	v10 =	vperm.xlane v10, v4;
	_ =	sdelay $0x1  }
0xe7: {  	v11 =	vshll.u32 v10, $0x6  }
0xe8: {  	v12 =	vor.u32 v5, v11  }
0xe9: {  	v12 =	vshll.u32 v12, $0x3  }
0xea: {  	v12 =	vand.u32 $0xFFFFFF40, v12  }
0xeb: {  	v12 =	vor.u32 v9, v12  }
0xec: {  	v13 =	vperm.xlane v12, v9;
	_ =	sdelay $0x1  }
0xed: {  	v13 =	vadd.s32 v7, v13;
	_ =	sdelay $0x4  }
0xee: {  	[tilespmem:s13], [sflag:$0x1] =	stream.indirect_vreg.gather [hbm4b:s6+s2], $0x80, v13, vm0, $0xb8;
	[tilespmem:$0x8500] =	vst v63  }
0xef: {  	v12 =	vperm.xlane v12, v8  }
0xf0: {  	[tilespmem:s12], [sflag:$0x1] =	stream.indirect_vreg.gather [hbm4b:s7+s2], $0x80, v13, vm0, $0xb8;
	[tilespmem:$0x8500] =	vst v63  }
0xf1: {  	v12 =	vadd.s32 v7, v12  }
0xf2: {  	[tilespmem:s16], [sflag:$0x1] =	stream.indirect_vreg.gather [hbm4b:s8+s2], $0x80, v13, vm0, $0xb8;
	[tilespmem:$0x8500] =	vst v63  }
0xf3: {  	_ = 	snop  }
0xf4: {  	[tilespmem:s17], [sflag:$0x1] =	stream.indirect_vreg.gather [hbm4b:s9+s2], $0x80, v13, vm0, $0xb8;
	[tilespmem:$0x8500] =	vst v63  }
0xf5: {  	v11 =	vor.u32 v6, v11  }
0xf6: {  	v11 =	vshll.u32 v11, $0x3;
	[tilespmem:s14], [sflag:$0x1] =	stream.indirect_vreg.gather [hbm4b:s6+s2], $0x80, v12, vm0, $0xb8;
	[tilespmem:$0x8500] =	vst v63  }
0xf7: {  	v11 =	vand.u32 $0xFFFFFFC0, v11  }
0xf8: {  	v11 =	vor.u32 v9, v11;
	[tilespmem:s21], [sflag:$0x1] =	stream.indirect_vreg.gather [hbm4b:s7+s2], $0x80, v12, vm0, $0xb8;
	[tilespmem:$0x8500] =	vst v63  }
0xf9: {  	v14 =	vperm.xlane v11, v9  }
0xfa: {  	[tilespmem:s15], [sflag:$0x1] =	stream.indirect_vreg.gather [hbm4b:s8+s2], $0x80, v12, vm0, $0xb8;
	[tilespmem:$0x8500] =	vst v63  }
0xfb: {  	v21 =	vadd.s32 v7, v14  }
0xfc: {  	[tilespmem:s23], [sflag:$0x1] =	stream.indirect_vreg.gather [hbm4b:s9+s2], $0x80, v12, vm0, $0xb8;
	[tilespmem:$0x8500] =	vst v63  }
0xfd: {  	_ =	swait.ge [sflag:s10], $0x4000  }
0xfe: {  	[sflag:s10] =	ssyncset.done $0x0  }
0xff: {  	[sflag:s10] =	ssyncadd.s32 $0xFFFFC000  }
0x100: {  	[tilespmem:s18], [sflag:$0x1] =	stream.indirect_vreg.gather [hbm4b:s6+s2], $0x80, v21, vm0, $0xb8;
	[tilespmem:$0x8500] =	vst v63  }
0x101: {  	v11 =	vperm.xlane v11, v8  }
0x102: {  	[tilespmem:s22], [sflag:$0x1] =	stream.indirect_vreg.gather [hbm4b:s7+s2], $0x80, v21, vm0, $0xb8;
	[tilespmem:$0x8500] =	vst v63  }
0x103: {  	v11 =	vadd.s32 v7, v11  }
0x104: {  	[tilespmem:s19], [sflag:$0x1] =	stream.indirect_vreg.gather [hbm4b:s8+s2], $0x80, v21, vm0, $0xb8;
	[tilespmem:$0x8500] =	vst v63  }
0x105: {  	_ = 	snop  }
0x106: {  	[tilespmem:s20], [sflag:$0x1] =	stream.indirect_vreg.gather [hbm4b:s9+s2], $0x80, v21, vm0, $0xb8;
	[tilespmem:$0x8500] =	vst v63  }
0x107: {  	_ = 	snop  }
0x108: {  	[tilespmem:s25], [sflag:$0x1] =	stream.indirect_vreg.gather [hbm4b:s6+s2], $0x80, v11, vm0, $0xb8;
	[tilespmem:$0x8500] =	vst v63  }
0x109: {  	_ = 	snop  }
0x10a: {  	[tilespmem:s26], [sflag:$0x1] =	stream.indirect_vreg.gather [hbm4b:s7+s2], $0x80, v11, vm0, $0xb8;
	[tilespmem:$0x8500] =	vst v63  }
0x10b: {  	_ = 	snop  }
0x10c: {  	[tilespmem:s28], [sflag:$0x1] =	stream.indirect_vreg.gather [hbm4b:s8+s2], $0x80, v11, vm0, $0xb8;
	[tilespmem:$0x8500] =	vst v63  }
0x10d: {  	_ = 	snop  }
0x10e: {  	[tilespmem:s29], [sflag:$0x1] =	stream.indirect_vreg.gather [hbm4b:s9+s2], $0x80, v11, vm0, $0xb8;
	[tilespmem:$0x8500] =	vst v63  }
0x10f: {  	_ =	swait.ge [sflag:s10], $0x4000  }
0x110: {  	[sflag:s10] =	ssyncset.done $0x0  }
0x111: {  	[sflag:s10] =	ssyncadd.s32 $0xFFFFC000  }
0x112: {  	v10 =	vcvt.s32.f32 v10;
	v11 =	vld [tilespmem:$0x80];
	_ =	sdelay $0x1  }
0x113: {  	[tilespmem:$0x8490] =	vst v10;
	v10 =	vld [tilespmem:$0x90];
	_ =	sdelay $0x1  }
0x114: {  	v22 =	vld [tilespmem:$0xA0]  }
0x115: {  	v11 =	vadd.f32 $0.0e+00, v11  }
0x116: {  	v23 =	vld [tilespmem:$0xB0]  }
0x117: {  	v10 =	vadd.f32 v10, v11  }
0x118: {  	v11 =	vld [tilespmem:$0xC0]  }
0x119: {  	v10 =	vadd.f32 v22, v10  }
0x11a: {  	v24 =	vld [tilespmem:$0xD0]  }
0x11b: {  	v10 =	vadd.f32 v23, v10  }
0x11c: {  	v25 =	vld [tilespmem:$0xE0]  }
0x11d: {  	v10 =	vadd.f32 v11, v10  }
0x11e: {  	v11 =	vld [tilespmem:$0xF0]  }
0x11f: {  	v10 =	vadd.f32 v24, v10  }
0x120: {  	v26 =	vld [tilespmem:$0x100]  }
0x121: {  	v10 =	vadd.f32 v25, v10  }
0x122: {  	v27 =	vld [tilespmem:$0x110]  }
0x123: {  	v10 =	vadd.f32 v11, v10  }
0x124: {  	v11 =	vld [tilespmem:$0x120]  }
0x125: {  	v10 =	vadd.f32 v26, v10  }
0x126: {  	v28 =	vld [tilespmem:$0x130]  }
0x127: {  	v10 =	vadd.f32 v27, v10  }
0x128: {  	v29 =	vld [tilespmem:$0x140]  }
0x129: {  	v10 =	vadd.f32 v11, v10  }
0x12a: {  	v11 =	vld [tilespmem:$0x150]  }
0x12b: {  	v10 =	vadd.f32 v28, v10  }
0x12c: {  	v30 =	vld [tilespmem:$0x160]  }
0x12d: {  	v10 =	vadd.f32 v29, v10  }
0x12e: {  	v31 =	vld [tilespmem:$0x170]  }
0x12f: {  	v10 =	vadd.f32 v11, v10  }
0x130: {  	v11 =	vld [tilespmem:$0x180]  }
0x131: {  	v10 =	vadd.f32 v30, v10  }
0x132: {  	v32 =	vld [tilespmem:$0x190]  }
0x133: {  	v10 =	vadd.f32 v31, v10  }
0x134: {  	v33 =	vld [tilespmem:$0x1A0]  }
0x135: {  	v10 =	vadd.f32 v11, v10  }
0x136: {  	v11 =	vld [tilespmem:$0x1B0]  }
0x137: {  	v10 =	vadd.f32 v32, v10  }
0x138: {  	v34 =	vld [tilespmem:$0x1C0]  }
0x139: {  	v10 =	vadd.f32 v33, v10  }
0x13a: {  	v35 =	vld [tilespmem:$0x1D0]  }
0x13b: {  	v10 =	vadd.f32 v11, v10  }
0x13c: {  	v11 =	vld [tilespmem:$0x1E0]  }
0x13d: {  	v10 =	vadd.f32 v34, v10  }
0x13e: {  	v36 =	vld [tilespmem:$0x1F0]  }
0x13f: {  	v10 =	vadd.f32 v35, v10  }
0x140: {  	v37 =	vld [tilespmem:$0x200]  }
0x141: {  	v10 =	vadd.f32 v11, v10  }
0x142: {  	v11 =	vld [tilespmem:$0x210]  }
0x143: {  	v10 =	vadd.f32 v36, v10  }
0x144: {  	v38 =	vld [tilespmem:$0x220]  }
0x145: {  	v10 =	vadd.f32 v37, v10  }
0x146: {  	v39 =	vld [tilespmem:$0x230]  }
0x147: {  	v10 =	vadd.f32 v11, v10  }
0x148: {  	v11 =	vld [tilespmem:$0x240]  }
0x149: {  	v10 =	vadd.f32 v38, v10  }
0x14a: {  	v40 =	vld [tilespmem:$0x250]  }
0x14b: {  	v10 =	vadd.f32 v39, v10  }
0x14c: {  	v41 =	vld [tilespmem:$0x260]  }
0x14d: {  	v10 =	vadd.f32 v11, v10  }
0x14e: {  	v11 =	vld [tilespmem:$0x270]  }
0x14f: {  	v10 =	vadd.f32 v40, v10  }
0x150: {  	v42 =	vld [tilespmem:$0x280]  }
0x151: {  	v10 =	vadd.f32 v41, v10  }
0x152: {  	v43 =	vld [tilespmem:$0x290]  }
0x153: {  	v10 =	vadd.f32 v11, v10  }
0x154: {  	v11 =	vld [tilespmem:$0x2A0]  }
0x155: {  	v10 =	vadd.f32 v42, v10  }
0x156: {  	v44 =	vld [tilespmem:$0x2B0]  }
0x157: {  	v10 =	vadd.f32 v43, v10  }
0x158: {  	v45 =	vld [tilespmem:$0x2C0]  }
0x159: {  	v10 =	vadd.f32 v11, v10  }
0x15a: {  	v11 =	vld [tilespmem:$0x2D0]  }
0x15b: {  	v10 =	vadd.f32 v44, v10  }
0x15c: {  	v46 =	vld [tilespmem:$0x2E0]  }
0x15d: {  	v10 =	vadd.f32 v45, v10  }
0x15e: {  	v47 =	vld [tilespmem:$0x2F0]  }
0x15f: {  	v10 =	vadd.f32 v11, v10  }
0x160: {  	v11 =	vld [tilespmem:$0x300]  }
0x161: {  	v10 =	vadd.f32 v46, v10  }
0x162: {  	v48 =	vld [tilespmem:$0x310]  }
0x163: {  	v10 =	vadd.f32 v47, v10  }
0x164: {  	v49 =	vld [tilespmem:$0x320]  }
0x165: {  	v10 =	vadd.f32 v11, v10  }
0x166: {  	v11 =	vld [tilespmem:$0x330]  }
0x167: {  	v10 =	vadd.f32 v48, v10  }
0x168: {  	v50 =	vld [tilespmem:$0x340]  }
0x169: {  	v10 =	vadd.f32 v49, v10  }
0x16a: {  	v51 =	vld [tilespmem:$0x350]  }
0x16b: {  	v10 =	vadd.f32 v11, v10  }
0x16c: {  	v11 =	vld [tilespmem:$0x360]  }
0x16d: {  	v10 =	vadd.f32 v50, v10  }
0x16e: {  	v52 =	vld [tilespmem:$0x370]  }
0x16f: {  	v10 =	vadd.f32 v51, v10  }
0x170: {  	v53 =	vld [tilespmem:$0x380]  }
0x171: {  	v10 =	vadd.f32 v11, v10  }
0x172: {  	v11 =	vld [tilespmem:$0x390]  }
0x173: {  	v10 =	vadd.f32 v52, v10  }
0x174: {  	v54 =	vld [tilespmem:$0x3A0]  }
0x175: {  	v10 =	vadd.f32 v53, v10  }
0x176: {  	v55 =	vld [tilespmem:$0x3B0]  }
0x177: {  	v10 =	vadd.f32 v11, v10  }
0x178: {  	v11 =	vld [tilespmem:$0x3C0]  }
0x179: {  	v10 =	vadd.f32 v54, v10  }
0x17a: {  	v56 =	vld [tilespmem:$0x3D0]  }
0x17b: {  	v10 =	vadd.f32 v55, v10  }
0x17c: {  	v57 =	vld [tilespmem:$0x3E0]  }
0x17d: {  	v10 =	vadd.f32 v11, v10  }
0x17e: {  	v11 =	vld [tilespmem:$0x3F0]  }
0x17f: {  	v10 =	vadd.f32 v56, v10  }
0x180: {  	v58 =	vld [tilespmem:$0x400]  }
0x181: {  	v10 =	vadd.f32 v57, v10  }
0x182: {  	v59 =	vld [tilespmem:$0x410]  }
0x183: {  	v10 =	vadd.f32 v11, v10  }
0x184: {  	v11 =	vld [tilespmem:$0x420]  }
0x185: {  	v10 =	vadd.f32 v58, v10  }
0x186: {  	v60 =	vld [tilespmem:$0x430]  }
0x187: {  	v10 =	vadd.f32 v59, v10  }
0x188: {  	v61 =	vld [tilespmem:$0x440]  }
0x189: {  	v10 =	vadd.f32 v11, v10  }
0x18a: {  	v11 =	vld [tilespmem:$0x450]  }
0x18b: {  	v10 =	vadd.f32 v60, v10  }
0x18c: {  	v62 =	vld [tilespmem:$0x460]  }
0x18d: {  	v10 =	vadd.f32 v61, v10  }
0x18e: {  	v63 =	vld [tilespmem:$0x470]  }
0x18f: {  	v10 =	vadd.f32 v11, v10;
	_ =	sdelay $0x1  }
0x190: {  	v10 =	vadd.f32 v62, v10;
	_ =	sdelay $0x1  }
0x191: {  	v10 =	vadd.f32 v63, v10;
	_ =	sdelay $0x1  }
0x192: {  	v11 =	vperm.xlane v10, v0;
	_ =	sdelay $0x1  }
0x193: {  	v10 =	vadd.f32 v11, v10;
	_ =	sdelay $0x1  }
0x194: {  	v11 =	vperm.xlane v10, v1;
	_ =	sdelay $0x1  }
0x195: {  	v10 =	vadd.f32 v11, v10;
	_ =	sdelay $0x1  }
0x196: {  	v11 =	vperm.xlane v10, v2;
	_ =	sdelay $0x1  }
0x197: {  	v10 =	vadd.f32 v11, v10;
	_ =	sdelay $0x1  }
0x198: {  	v11 =	vperm.xlane v10, v3;
	_ =	sdelay $0x1  }
0x199: {  	v10 =	vadd.f32 v11, v10;
	_ =	sdelay $0x1  }
0x19a: {  	v10 =	vmax.f32 v10, $1.000000000e+00  }
0x19b: {  	(erf) = vrcp.f32 v10;
	_ =	sdelay $0x7  }
0x19c: {  	p1 =	sne.s32 s31, $0x1  }
.Ltmp2:
0x19d: {  	v10 =	vpop (erf);
	(pc) =	sbr.rel @p1 .LBB2_2-.Ltmp2, $4  }
0x19e: {  	[tilespmem:$0x8480] =	vst v10  }
0x19f: {  	[hbm4b:s3+s2] =	stream.linear.scatter [tilespmem:s5], [sflag:$0x2], $0x80, $0x38;
	[tilespmem:$0x8500] =	vst v63  }
0x1a0: {  	_ =	swait.ge [sflag:s4], $0x80  }
0x1a1: {  	s31 =	sadd.s32 $0xFFFFFFFF, s31;
	s0 =	rddreg [dreg:$0x3];
	[sflag:s4] =	ssyncset.done $0x0  }
.LBB2_3:
0x1a2: {  	[sflag:s4] =	ssyncadd.s32 @p0 $0xFFFFFF80  }
0x1a3: {  	[tilespmem:s2], [sflag:$0x2] =	stream.linear.gather [hbm4b:s0+s2], $0x80, $0x38;
	[tilespmem:$0x8500] =	vst v63  }
0x1a4: {  	_ =	swait.ge [sflag:s4], $0x80  }
0x1a5: {  	[sflag:s4] =	ssyncset.done $0x0  }
0x1a6: {  	[sflag:s4] =	ssyncadd.s32 $0xFFFFFF80  }
0x1a7: {  	[tilespmem:s30], [sflag:$0x2] =	stream.strided.gather [hbm4b:s11+s30], $0x400, s24, s30, $0x38;
	[tilespmem:$0x8500] =	vst v63  }
0x1a8: {  	_ =	swait.ge [sflag:s4], $0x400  }
0x1a9: {  	[sflag:s4] =	ssyncset.done $0x0  }
0x1aa: {  	[sflag:s4] =	ssyncadd.s32 $0xFFFFFC00  }
0x1ab: {  	v10 =	vld [tilespmem:$0x0];
	_ =	sdelay $0x4  }
0x1ac: {  	v4 =	vperm.xlane v10, v4;
	_ =	sdelay $0x1  }
0x1ad: {  	v10 =	vshll.u32 v4, $0x6  }
0x1ae: {  	v5 =	vor.u32 v5, v10  }
0x1af: {  	v5 =	vshll.u32 v5, $0x3  }
0x1b0: {  	v5 =	vand.u32 $0xFFFFFF40, v5  }
0x1b1: {  	v5 =	vor.u32 v9, v5  }
0x1b2: {  	v11 =	vperm.xlane v5, v9;
	_ =	sdelay $0x1  }
0x1b3: {  	v11 =	vadd.s32 v7, v11;
	_ =	sdelay $0x4  }
0x1b4: {  	[tilespmem:s13], [sflag:$0x1] =	stream.indirect_vreg.gather [hbm4b:s6+s2], $0x80, v11, vm0, $0xb8;
	[tilespmem:$0x8500] =	vst v63  }
0x1b5: {  	v5 =	vperm.xlane v5, v8  }
0x1b6: {  	[tilespmem:s12], [sflag:$0x1] =	stream.indirect_vreg.gather [hbm4b:s7+s2], $0x80, v11, vm0, $0xb8;
	[tilespmem:$0x8500] =	vst v63  }
0x1b7: {  	v5 =	vadd.s32 v7, v5  }
0x1b8: {  	[tilespmem:s16], [sflag:$0x1] =	stream.indirect_vreg.gather [hbm4b:s8+s2], $0x80, v11, vm0, $0xb8;
	[tilespmem:$0x8500] =	vst v63  }
0x1b9: {  	_ = 	snop  }
0x1ba: {  	[tilespmem:s17], [sflag:$0x1] =	stream.indirect_vreg.gather [hbm4b:s9+s2], $0x80, v11, vm0, $0xb8;
	[tilespmem:$0x8500] =	vst v63  }
0x1bb: {  	v6 =	vor.u32 v6, v10  }
0x1bc: {  	v6 =	vshll.u32 v6, $0x3;
	[tilespmem:s14], [sflag:$0x1] =	stream.indirect_vreg.gather [hbm4b:s6+s2], $0x80, v5, vm0, $0xb8;
	[tilespmem:$0x8500] =	vst v63  }
0x1bd: {  	v6 =	vand.u32 $0xFFFFFFC0, v6  }
0x1be: {  	v6 =	vor.u32 v9, v6;
	[tilespmem:s21], [sflag:$0x1] =	stream.indirect_vreg.gather [hbm4b:s7+s2], $0x80, v5, vm0, $0xb8;
	[tilespmem:$0x8500] =	vst v63  }
0x1bf: {  	v9 =	vperm.xlane v6, v9  }
0x1c0: {  	[tilespmem:s15], [sflag:$0x1] =	stream.indirect_vreg.gather [hbm4b:s8+s2], $0x80, v5, vm0, $0xb8;
	[tilespmem:$0x8500] =	vst v63  }
0x1c1: {  	v9 =	vadd.s32 v7, v9  }
0x1c2: {  	[tilespmem:s23], [sflag:$0x1] =	stream.indirect_vreg.gather [hbm4b:s9+s2], $0x80, v5, vm0, $0xb8;
	[tilespmem:$0x8500] =	vst v63  }
0x1c3: {  	_ =	swait.ge [sflag:s10], $0x4000  }
0x1c4: {  	[sflag:s10] =	ssyncset.done $0x0  }
0x1c5: {  	[sflag:s10] =	ssyncadd.s32 $0xFFFFC000  }
0x1c6: {  	[tilespmem:s18], [sflag:$0x1] =	stream.indirect_vreg.gather [hbm4b:s6+s2], $0x80, v9, vm0, $0xb8;
	[tilespmem:$0x8500] =	vst v63  }
0x1c7: {  	v49 =	vperm.xlane v6, v8  }
0x1c8: {  	[tilespmem:s22], [sflag:$0x1] =	stream.indirect_vreg.gather [hbm4b:s7+s2], $0x80, v9, vm0, $0xb8;
	[tilespmem:$0x8500] =	vst v63  }
0x1c9: {  	v5 =	vadd.s32 v7, v49  }
0x1ca: {  	[tilespmem:s19], [sflag:$0x1] =	stream.indirect_vreg.gather [hbm4b:s8+s2], $0x80, v9, vm0, $0xb8;
	[tilespmem:$0x8500] =	vst v63  }
0x1cb: {  	_ = 	snop  }
0x1cc: {  	[tilespmem:s20], [sflag:$0x1] =	stream.indirect_vreg.gather [hbm4b:s9+s2], $0x80, v9, vm0, $0xb8;
	[tilespmem:$0x8500] =	vst v63  }
0x1cd: {  	_ = 	snop  }
0x1ce: {  	[tilespmem:s25], [sflag:$0x1] =	stream.indirect_vreg.gather [hbm4b:s6+s2], $0x80, v5, vm0, $0xb8;
	[tilespmem:$0x8500] =	vst v63  }
0x1cf: {  	_ = 	snop  }
0x1d0: {  	[tilespmem:s26], [sflag:$0x1] =	stream.indirect_vreg.gather [hbm4b:s7+s2], $0x80, v5, vm0, $0xb8;
	[tilespmem:$0x8500] =	vst v63  }
0x1d1: {  	_ = 	snop  }
0x1d2: {  	[tilespmem:s28], [sflag:$0x1] =	stream.indirect_vreg.gather [hbm4b:s8+s2], $0x80, v5, vm0, $0xb8;
	[tilespmem:$0x8500] =	vst v63  }
0x1d3: {  	_ = 	snop  }
0x1d4: {  	[tilespmem:s29], [sflag:$0x1] =	stream.indirect_vreg.gather [hbm4b:s9+s2], $0x80, v5, vm0, $0xb8;
	[tilespmem:$0x8500] =	vst v63  }
0x1d5: {  	_ =	swait.ge [sflag:s10], $0x4000  }
0x1d6: {  	[sflag:s10] =	ssyncset.done $0x0  }
0x1d7: {  	[sflag:s10] =	ssyncadd.s32 $0xFFFFC000  }
0x1d8: {  	v50 =	vld [tilespmem:$0x80];
	_ =	sdelay $0x1  }
0x1d9: {  	v51 =	vld [tilespmem:$0x90];
	_ =	sdelay $0x1  }
0x1da: {  	v52 =	vld [tilespmem:$0xA0]  }
0x1db: {  	v5 =	vadd.f32 $0.0e+00, v50  }
0x1dc: {  	v53 =	vld [tilespmem:$0xB0]  }
0x1dd: {  	v5 =	vadd.f32 v51, v5  }
0x1de: {  	v54 =	vld [tilespmem:$0xC0]  }
0x1df: {  	v5 =	vadd.f32 v52, v5  }
0x1e0: {  	v55 =	vld [tilespmem:$0xD0]  }
0x1e1: {  	v5 =	vadd.f32 v53, v5  }
0x1e2: {  	v56 =	vld [tilespmem:$0xE0]  }
0x1e3: {  	v5 =	vadd.f32 v54, v5  }
0x1e4: {  	v57 =	vld [tilespmem:$0xF0]  }
0x1e5: {  	v5 =	vadd.f32 v55, v5  }
0x1e6: {  	v58 =	vld [tilespmem:$0x100]  }
0x1e7: {  	v5 =	vadd.f32 v56, v5  }
0x1e8: {  	v59 =	vld [tilespmem:$0x110]  }
0x1e9: {  	v5 =	vadd.f32 v57, v5  }
0x1ea: {  	v60 =	vld [tilespmem:$0x120]  }
0x1eb: {  	v5 =	vadd.f32 v58, v5  }
0x1ec: {  	v61 =	vld [tilespmem:$0x130]  }
0x1ed: {  	v5 =	vadd.f32 v59, v5  }
0x1ee: {  	v62 =	vld [tilespmem:$0x140]  }
0x1ef: {  	v5 =	vadd.f32 v60, v5  }
0x1f0: {  	v63 =	vld [tilespmem:$0x150]  }
0x1f1: {  	v5 =	vadd.f32 v61, v5  }
0x1f2: {  	v12 =	vld [tilespmem:$0x160]  }
0x1f3: {  	v5 =	vadd.f32 v62, v5  }
0x1f4: {  	v13 =	vld [tilespmem:$0x170]  }
0x1f5: {  	v5 =	vadd.f32 v63, v5  }
0x1f6: {  	v14 =	vld [tilespmem:$0x180]  }
0x1f7: {  	v5 =	vadd.f32 v12, v5  }
0x1f8: {  	v15 =	vld [tilespmem:$0x190]  }
0x1f9: {  	v5 =	vadd.f32 v13, v5  }
0x1fa: {  	v16 =	vld [tilespmem:$0x1A0]  }
0x1fb: {  	v5 =	vadd.f32 v14, v5  }
0x1fc: {  	v17 =	vld [tilespmem:$0x1B0]  }
0x1fd: {  	v5 =	vadd.f32 v15, v5  }
0x1fe: {  	v18 =	vld [tilespmem:$0x1C0]  }
0x1ff: {  	v5 =	vadd.f32 v16, v5  }
0x200: {  	v19 =	vld [tilespmem:$0x1D0]  }
0x201: {  	v5 =	vadd.f32 v17, v5  }
0x202: {  	v20 =	vld [tilespmem:$0x1E0]  }
0x203: {  	v5 =	vadd.f32 v18, v5  }
0x204: {  	v21 =	vld [tilespmem:$0x1F0]  }
0x205: {  	v5 =	vadd.f32 v19, v5  }
0x206: {  	v22 =	vld [tilespmem:$0x200]  }
0x207: {  	v5 =	vadd.f32 v20, v5  }
0x208: {  	v23 =	vld [tilespmem:$0x210]  }
0x209: {  	v5 =	vadd.f32 v21, v5  }
0x20a: {  	v24 =	vld [tilespmem:$0x220]  }
0x20b: {  	v5 =	vadd.f32 v22, v5  }
0x20c: {  	v25 =	vld [tilespmem:$0x230]  }
0x20d: {  	v5 =	vadd.f32 v23, v5  }
0x20e: {  	v26 =	vld [tilespmem:$0x240]  }
0x20f: {  	v5 =	vadd.f32 v24, v5  }
0x210: {  	v27 =	vld [tilespmem:$0x250]  }
0x211: {  	v5 =	vadd.f32 v25, v5  }
0x212: {  	v28 =	vld [tilespmem:$0x260]  }
0x213: {  	v5 =	vadd.f32 v26, v5  }
0x214: {  	v29 =	vld [tilespmem:$0x270]  }
0x215: {  	v5 =	vadd.f32 v27, v5  }
0x216: {  	v30 =	vld [tilespmem:$0x280]  }
0x217: {  	v5 =	vadd.f32 v28, v5  }
0x218: {  	v31 =	vld [tilespmem:$0x290]  }
0x219: {  	v5 =	vadd.f32 v29, v5  }
0x21a: {  	v32 =	vld [tilespmem:$0x2A0]  }
0x21b: {  	v5 =	vadd.f32 v30, v5  }
0x21c: {  	v33 =	vld [tilespmem:$0x2B0]  }
0x21d: {  	v5 =	vadd.f32 v31, v5  }
0x21e: {  	v34 =	vld [tilespmem:$0x2C0]  }
0x21f: {  	v5 =	vadd.f32 v32, v5  }
0x220: {  	v35 =	vld [tilespmem:$0x2D0]  }
0x221: {  	v5 =	vadd.f32 v33, v5  }
0x222: {  	v36 =	vld [tilespmem:$0x2E0]  }
0x223: {  	v5 =	vadd.f32 v34, v5  }
0x224: {  	v37 =	vld [tilespmem:$0x2F0]  }
0x225: {  	v5 =	vadd.f32 v35, v5  }
0x226: {  	v38 =	vld [tilespmem:$0x300]  }
0x227: {  	v5 =	vadd.f32 v36, v5  }
0x228: {  	v39 =	vld [tilespmem:$0x310]  }
0x229: {  	v5 =	vadd.f32 v37, v5  }
0x22a: {  	v40 =	vld [tilespmem:$0x320]  }
0x22b: {  	v5 =	vadd.f32 v38, v5  }
0x22c: {  	v41 =	vld [tilespmem:$0x330]  }
0x22d: {  	v5 =	vadd.f32 v39, v5  }
0x22e: {  	v42 =	vld [tilespmem:$0x340]  }
0x22f: {  	v5 =	vadd.f32 v40, v5  }
0x230: {  	v43 =	vld [tilespmem:$0x350]  }
0x231: {  	v5 =	vadd.f32 v41, v5  }
0x232: {  	v44 =	vld [tilespmem:$0x360]  }
0x233: {  	v5 =	vadd.f32 v42, v5  }
0x234: {  	v45 =	vld [tilespmem:$0x370]  }
0x235: {  	v5 =	vadd.f32 v43, v5  }
0x236: {  	v46 =	vld [tilespmem:$0x380]  }
0x237: {  	v5 =	vadd.f32 v44, v5  }
0x238: {  	v47 =	vld [tilespmem:$0x390]  }
0x239: {  	v5 =	vadd.f32 v45, v5  }
0x23a: {  	v48 =	vld [tilespmem:$0x3A0]  }
0x23b: {  	v5 =	vadd.f32 v46, v5  }
0x23c: {  	v49 =	vld [tilespmem:$0x3B0]  }
0x23d: {  	v5 =	vadd.f32 v47, v5  }
0x23e: {  	v50 =	vld [tilespmem:$0x3C0]  }
0x23f: {  	v5 =	vadd.f32 v48, v5  }
0x240: {  	v51 =	vld [tilespmem:$0x3D0]  }
0x241: {  	v5 =	vadd.f32 v49, v5  }
0x242: {  	v52 =	vld [tilespmem:$0x3E0]  }
0x243: {  	v5 =	vadd.f32 v50, v5  }
0x244: {  	v53 =	vld [tilespmem:$0x3F0]  }
0x245: {  	v5 =	vadd.f32 v51, v5  }
0x246: {  	v54 =	vld [tilespmem:$0x400]  }
0x247: {  	v5 =	vadd.f32 v52, v5  }
0x248: {  	v55 =	vld [tilespmem:$0x410]  }
0x249: {  	v5 =	vadd.f32 v53, v5  }
0x24a: {  	v56 =	vld [tilespmem:$0x420]  }
0x24b: {  	v5 =	vadd.f32 v54, v5  }
0x24c: {  	v57 =	vld [tilespmem:$0x430]  }
0x24d: {  	v5 =	vadd.f32 v55, v5  }
0x24e: {  	v58 =	vld [tilespmem:$0x440]  }
0x24f: {  	v5 =	vadd.f32 v56, v5  }
0x250: {  	v59 =	vld [tilespmem:$0x450]  }
0x251: {  	v5 =	vadd.f32 v57, v5  }
0x252: {  	v60 =	vld [tilespmem:$0x460]  }
0x253: {  	v5 =	vadd.f32 v58, v5  }
0x254: {  	v61 =	vld [tilespmem:$0x470]  }
0x255: {  	v5 =	vadd.f32 v59, v5;
	_ =	sdelay $0x1  }
0x256: {  	v5 =	vadd.f32 v60, v5;
	_ =	sdelay $0x1  }
0x257: {  	v5 =	vadd.f32 v61, v5;
	_ =	sdelay $0x1  }
0x258: {  	v0 =	vperm.xlane v5, v0;
	_ =	sdelay $0x1  }
0x259: {  	v0 =	vadd.f32 v0, v5;
	_ =	sdelay $0x1  }
0x25a: {  	v1 =	vperm.xlane v0, v1;
	_ =	sdelay $0x1  }
0x25b: {  	v0 =	vadd.f32 v1, v0;
	_ =	sdelay $0x1  }
0x25c: {  	v1 =	vperm.xlane v0, v2;
	_ =	sdelay $0x1  }
0x25d: {  	v0 =	vadd.f32 v1, v0;
	_ =	sdelay $0x1  }
0x25e: {  	v1 =	vperm.xlane v0, v3;
	_ =	sdelay $0x1  }
0x25f: {  	v0 =	vadd.f32 v1, v0;
	_ =	sdelay $0x1  }
0x260: {  	v0 =	vmax.f32 v0, $1.000000000e+00  }
0x261: {  	(erf) = vrcp.f32 v0;
	_ =	sdelay $0x6  }
0x262: {  	v62 =	vcvt.s32.f32 v4;
	_ =	sdelay $0x1  }
0x263: {  	[tilespmem:$0x8490] =	vst v62;
	v63 =	vpop (erf)  }
0x264: {  	[tilespmem:$0x8480] =	vst v63  }
0x265: {  	[hbm4b:s3+s2] =	stream.linear.scatter [tilespmem:s5], [sflag:$0x2], $0x80, $0x38;
	[tilespmem:$0x8500] =	vst v63  }
0x266: {  	_ =	swait.ge [sflag:s4], $0x80  }
0x267: {  	[sflag:s4] =	ssyncset.done $0x0  }
0x268: {  	[sflag:s4] =	ssyncadd.s32 $0xFFFFFF80  }
0x269: {  	_ =	sfence.sel $0x180000  }
0x26a: {  	[bflag:$0x0] =	sbarrier.arrive $0xFFFF  }
0x26b: {  	_ =	strace $0x90000047  }
0x26c: {  	[bflag:$0x2] =	sbarrier.arrive $0xFFFF  }
0x26d: {  	p0 =	sne.s32 s1, $0x0;
	s0 =	rddreg [dreg:$0x2]  }
0x26e: {  	s0 =	sadd.s32 @!p0 $0x100000, s0  }
0x26f: {  	[sflag:s0] =	ssyncadd.tile.s32 @!p0 $0x1;
	_ =	shalt  }
.Lfunc_end2:
_tile_overlayer_lowered:
.L_overlay_start_2:
0x270: {  	(tag) =	ssettag $0x2  }
0x271: {  	s0 =	rddreg [dreg:$0x0];
	s2 =	stileid.u32  }
0x272: {  	s1 =	rddreg [dreg:$0x1];
	p0 =	sne.s32 s2, $0x0  }
0x273: {  	s3 =	rddreg [dreg:$0x2];
	[bflag:$0x3] =	sbarrier.arrive $0xFFFF;
	s2 =	simm.s32 @!p0 $0x1C02  }
0x274: {  	[timem:s3], [sflag:s2] =	dma.local @!p0 [hbm:s0], s1  }
0x275: {  	s0 =	simm.s32 @!p0 $0x2  }
0x276: {  	_ =	swait.ge @!p0 [sflag:s0], s1  }
0x277: {  	s1 =	ssub.s32 @!p0 $0x0, s1;
	[sflag:s0] =	ssyncset.done @!p0 $0x0  }
0x278: {  	[sflag:s0] =	ssyncadd.s32 @!p0 s1  }
0x279: {  	[bflag:$0x3] =	sbarrier.arrive $0xFFFF  }
0x27a: {  	_ =	shalt  }

</sc_bundles>
